<compile_context>
chip_gen: v7x
topology: tpu7x:2x2x1
jax: 0.10.2.dev20260603
libtpu: 0.0.44.dev20260713+nightly
codegen_flags: <defaults>
</compile_context>

<pallas_src>
import functools

import jax
import jax.numpy as jnp
from jax import lax
from jax.experimental import pallas as pl
from jax.experimental.pallas import tpu as pltpu
from jax.experimental.pallas import tpu_sc as plsc

F = 256
NREL = 3
NSRC = 8192
NDST = 1024
N2 = 1024
N3 = 256
H = 128
BK = 2048
KSTEPS = NSRC // BK

NW = 32
SRC_PER_W = NSRC // NW
DST_PER_W = NDST // NW
GCHUNK = 128


def _sc_gather(features, srcn_flat, s2s1_flat, s2d1_flat):
    mesh = plsc.VectorSubcoreMesh(core_axis_name="c", subcore_axis_name="s")
    NCH = NREL * (SRC_PER_W // GCHUNK)

    @functools.partial(
        pl.kernel,
        mesh=mesh,
        out_type=(
            jax.ShapeDtypeStruct((NREL * NSRC, F), jnp.float32),
            jax.ShapeDtypeStruct((NREL * NDST, F), jnp.float32),
        ),
        scratch_types=[
            pltpu.VMEM((NREL * NSRC,), jnp.int32),
            pltpu.VMEM((NREL * SRC_PER_W,), jnp.int32),
            pltpu.VMEM((NREL * DST_PER_W,), jnp.int32),
        ] + [pltpu.VMEM((GCHUNK,), jnp.int32) for _ in range(NCH)]
          + [pltpu.VMEM((DST_PER_W,), jnp.int32) for _ in range(NREL)]
          + [
            pltpu.VMEM((GCHUNK, F), jnp.float32),
            pltpu.VMEM((GCHUNK, F), jnp.float32),
            pltpu.VMEM((DST_PER_W, F), jnp.float32),
            pltpu.VMEM((DST_PER_W, F), jnp.float32),
            pltpu.SemaphoreType.DMA,
            pltpu.SemaphoreType.DMA,
            pltpu.SemaphoreType.DMA,
            pltpu.SemaphoreType.DMA,
            pltpu.SemaphoreType.DMA,
        ],
        compiler_params=pltpu.CompilerParams(needs_layout_passes=False),
    )
    def k(feat_hbm, srcn_hbm, s2s1_hbm, s2d1_hbm, osrc_hbm, odst_hbm, *refs):
        srcn_v, idxs_v, idxd_v = refs[0], refs[1], refs[2]
        cbufs = refs[3:3 + NCH]
        dbufs = refs[3 + NCH:3 + NCH + NREL]
        rows0, rows1, rowsd0, rowsd1 = refs[3 + NCH + NREL:7 + NCH + NREL]
        sem_st, sg0, sg1, so0, so1 = refs[7 + NCH + NREL:]
        rbufs, sgs, sos = (rows0, rows1), (sg0, sg1), (so0, so1)
        dbufs_rows, dsems = (rowsd0, rowsd1), (sg0, sg1)
        wid = lax.axis_index("s") * 2 + lax.axis_index("c")

        stage = [pltpu.async_copy(srcn_hbm, srcn_v, sem_st)]
        for i in range(NREL):
            stage.append(pltpu.async_copy(
                s2s1_hbm.at[pl.ds(i * NSRC + wid * SRC_PER_W, SRC_PER_W)],
                idxs_v.at[pl.ds(i * SRC_PER_W, SRC_PER_W)], sem_st))
            stage.append(pltpu.async_copy(
                s2d1_hbm.at[pl.ds(i * NDST + wid * DST_PER_W, DST_PER_W)],
                idxd_v.at[pl.ds(i * DST_PER_W, DST_PER_W)], sem_st))
        for h in stage:
            h.wait()

        for i in range(NREL):
            for c in range(SRC_PER_W // GCHUNK):
                buf = cbufs[i * (SRC_PER_W // GCHUNK) + c]
                for j in range(GCHUNK // 16):
                    ids = idxs_v[pl.ds(i * SRC_PER_W + c * GCHUNK + j * 16, 16)]
                    buf[pl.ds(j * 16, 16)] = plsc.load_gather(srcn_v, [ids + i * NSRC])
            for j in range(DST_PER_W // 16):
                ids = idxd_v[pl.ds(i * DST_PER_W + j * 16, 16)]
                dbufs[i][pl.ds(j * 16, 16)] = plsc.load_gather(srcn_v, [ids + i * NSRC])

        def osl(ci):
            i, c = divmod(ci, SRC_PER_W // GCHUNK)
            return osrc_hbm.at[pl.ds(i * NSRC + wid * SRC_PER_W + c * GCHUNK, GCHUNK)]

        hg = [None] * NCH
        ho = [None] * NCH
        hg[0] = pltpu.async_copy(feat_hbm.at[cbufs[0]], rows0, sg0)
        hg[1] = pltpu.async_copy(feat_hbm.at[cbufs[1]], rows1, sg1)
        for ci in range(NCH):
            p = ci % 2
            hg[ci].wait()
            ho[ci] = pltpu.async_copy(rbufs[p], osl(ci), sos[p])
            if ci + 2 < NCH:
                ho[ci].wait()
                hg[ci + 2] = pltpu.async_copy(feat_hbm.at[cbufs[ci + 2]], rbufs[p], sgs[p])
        ho[NCH - 2].wait()
        ho[NCH - 1].wait()

        hd = [None] * NREL
        od = [None] * NREL
        hd[0] = pltpu.async_copy(feat_hbm.at[dbufs[0]], rowsd0, sg0)
        hd[1] = pltpu.async_copy(feat_hbm.at[dbufs[1]], rowsd1, sg1)
        for i in range(NREL):
            p = i % 2
            hd[i].wait()
            od[i] = pltpu.async_copy(
                dbufs_rows[p], odst_hbm.at[pl.ds(i * NDST + wid * DST_PER_W, DST_PER_W)],
                sos[p])
            if i + 2 < NREL:
                od[i].wait()
                hd[i + 2] = pltpu.async_copy(feat_hbm.at[dbufs[i + 2]], dbufs_rows[p], dsems[p])
        od[NREL - 2].wait()
        od[NREL - 1].wait()

    return k(features, srcn_flat, s2s1_flat, s2d1_flat)


def _dot(a, b):
    return jax.lax.dot_general(a, b, (((1,), (0,)), ((), ())),
                               preferred_element_type=jnp.float32)


def _tc_body(dif1_ref, srcg_ref, dstg_ref, dif2_ref, s2s2_ref, s2d2_ref,
             w1a_ref, w1b_ref, w2a_ref, w2b_ref, a1_ref, wc_ref,
             out_ref, acc_ref, xsum_ref):
    i = pl.program_id(0)
    k = pl.program_id(1)

    part = _dot(dif1_ref[0], srcg_ref[0])

    @pl.when(k == 0)
    def _():
        acc_ref[...] = part

    @pl.when(k != 0)
    def _():
        acc_ref[...] += part

    @pl.when(k == KSTEPS - 1)
    def _():
        agg1 = acc_ref[...]
        h1 = _dot(agg1, w1a_ref[...]) + _dot(dstg_ref[0], w1b_ref[...])
        logits1 = _dot(h1, a1_ref[...])
        e1 = jnp.exp(logits1 - jnp.max(logits1, axis=0, keepdims=True))
        att1 = e1 / jnp.sum(e1, axis=0, keepdims=True)
        x1 = h1 * att1

        cols2 = lax.broadcasted_iota(jnp.int32, (N2, N2), 1)
        e2 = (cols2 == s2s2_ref[0]).astype(jnp.float32)
        src2 = _dot(e2, x1)
        agg2 = _dot(dif2_ref[0], src2)
        colsd = lax.broadcasted_iota(jnp.int32, (N3, N2), 1)
        ed = (colsd == s2d2_ref[0]).astype(jnp.float32)
        dst2 = _dot(ed, x1)
        h2 = _dot(agg2, w2a_ref[...]) + _dot(dst2, w2b_ref[...])
        logits2 = _dot(h2, a1_ref[...])
        g2 = jnp.exp(logits2 - jnp.max(logits2, axis=0, keepdims=True))
        att2 = g2 / jnp.sum(g2, axis=0, keepdims=True)
        x2 = h2 * att2

        @pl.when(i == 0)
        def _():
            xsum_ref[...] = x2

        @pl.when(i != 0)
        def _():
            xsum_ref[...] += x2

        @pl.when(i == NREL - 1)
        def _():
            s = xsum_ref[...]
            ss = jnp.sum(s * s, axis=1, keepdims=True)
            nrm = s * lax.rsqrt(jnp.maximum(ss, 1e-12))
            lc = _dot(nrm, wc_ref[...])
            ec = jnp.exp(lc - jnp.max(lc, axis=1, keepdims=True))
            out_ref[...] = ec / jnp.sum(ec, axis=1, keepdims=True)


def _tc_forward(srcg, dstg, dif1, dif2, s2s2r, s2d2r, W1a, W1b, W2a, W2b, a1, Wc):
    return pl.pallas_call(
        _tc_body,
        grid=(NREL, KSTEPS),
        in_specs=[
            pl.BlockSpec((1, NDST, BK), lambda i, k: (i, 0, k)),
            pl.BlockSpec((1, BK, F), lambda i, k: (i, k, 0)),
            pl.BlockSpec((1, NDST, F), lambda i, k: (i, 0, 0)),
            pl.BlockSpec((1, N3, N2), lambda i, k: (i, 0, 0)),
            pl.BlockSpec((1, N2, 1), lambda i, k: (i, 0, 0)),
            pl.BlockSpec((1, N3, 1), lambda i, k: (i, 0, 0)),
            pl.BlockSpec((F, H), lambda i, k: (0, 0)),
            pl.BlockSpec((F, H), lambda i, k: (0, 0)),
            pl.BlockSpec((H, H), lambda i, k: (0, 0)),
            pl.BlockSpec((H, H), lambda i, k: (0, 0)),
            pl.BlockSpec((H, 1), lambda i, k: (0, 0)),
            pl.BlockSpec((H, 2), lambda i, k: (0, 0)),
        ],
        out_specs=pl.BlockSpec((N3, 2), lambda i, k: (0, 0)),
        out_shape=jax.ShapeDtypeStruct((N3, 2), jnp.float32),
        scratch_shapes=[
            pltpu.VMEM((NDST, F), jnp.float32),
            pltpu.VMEM((N3, H), jnp.float32),
        ],
        compiler_params=pltpu.CompilerParams(
            dimension_semantics=("arbitrary", "arbitrary"),
        ),
    )(dif1, srcg, dstg, dif2, s2s2r, s2d2r, W1a, W1b, W2a, W2b, a1, Wc)


def kernel(features, src_nodes, s2s1, s2d1, dif1, s2s2, s2d2, dif2,
           W1, W2, attention_vec, relation_vectors, Wc):
    del relation_vectors
    srcn_flat = src_nodes.reshape(-1).astype(jnp.int32)
    s2s1_flat = s2s1.reshape(-1).astype(jnp.int32)
    s2d1_flat = s2d1.reshape(-1).astype(jnp.int32)
    osrc, odst = _sc_gather(features, srcn_flat, s2s1_flat, s2d1_flat)
    srcg = osrc.reshape(NREL, NSRC, F)
    dstg = odst.reshape(NREL, NDST, F)
    s2s2r = s2s2.astype(jnp.int32).reshape(NREL, N2, 1)
    s2d2r = s2d2.astype(jnp.int32).reshape(NREL, N3, 1)
    W1a, W1b = W1[:F], W1[F:]
    W2a, W2b = W2[:H], W2[H:]
    a1 = attention_vec[:H]
    return _tc_forward(srcg, dstg, dif1, dif2, s2s2r, s2d2r,
                       W1a, W1b, W2a, W2b, a1, Wc)

# --- scband reference (transcript-rebuilt; emitter-appended) ---
"""Pipeline reference for scband-graph-consis-33930241638802 (READ-ONLY COPY).

The authoritative reference and input builder live on the scoring server;
editing this copy changes nothing except your own understanding.
"""

import jax, jax.numpy as jnp
import numpy as np

FEATURES_DIM = 256
INTERNAL_DIM = 128
NUM_CLASSES = 2
NUM_RELATIONS = 3
N_NODES = 50000


def glorot(key, shape):
    limit = float(np.sqrt(6.0 / (shape[0] + shape[1])))
    return jax.random.uniform(key, shape, dtype=jnp.float32, minval=-limit, maxval=limit)


def setup_inputs(seed: int = 0) -> dict:
    key = jax.random.key(seed)
    ks = jax.random.split(key, 16)
    features = jax.random.normal(ks[0], (N_NODES, FEATURES_DIM), dtype=jnp.float32)
    src_nodes = jax.random.randint(ks[1], (NUM_RELATIONS, 8192), 0, N_NODES)
    s2s1 = jax.random.randint(ks[2], (NUM_RELATIONS, 8192), 0, 8192)
    s2d1 = jax.random.randint(ks[3], (NUM_RELATIONS, 1024), 0, 8192)
    dif1 = jax.random.uniform(ks[4], (NUM_RELATIONS, 1024, 8192), dtype=jnp.float32)
    dif1 = dif1 / jnp.sum(dif1, axis=2, keepdims=True)  # row-stochastic mean-diffusion matrix
    s2s2 = jax.random.randint(ks[5], (NUM_RELATIONS, 1024), 0, 1024)
    s2d2 = jax.random.randint(ks[6], (NUM_RELATIONS, 256), 0, 1024)
    dif2 = jax.random.uniform(ks[7], (NUM_RELATIONS, 256, 1024), dtype=jnp.float32)
    dif2 = dif2 / jnp.sum(dif2, axis=2, keepdims=True)
    W1 = glorot(ks[8], (2 * FEATURES_DIM, INTERNAL_DIM))
    W2 = glorot(ks[9], (2 * INTERNAL_DIM, INTERNAL_DIM))
    attention_vec = jax.random.uniform(ks[10], (2 * INTERNAL_DIM, 1), dtype=jnp.float32)
    relation_vectors = jax.random.uniform(ks[11], (NUM_RELATIONS, INTERNAL_DIM), dtype=jnp.float32)
    Wc = glorot(ks[12], (INTERNAL_DIM, NUM_CLASSES))
    return {"features": features, "src_nodes": src_nodes, "s2s1": s2s1, "s2d1": s2d1,
            "dif1": dif1, "s2s2": s2s2, "s2d2": s2d2, "dif2": dif2,
            "W1": W1, "W2": W2, "attention_vec": attention_vec,
            "relation_vectors": relation_vectors, "Wc": Wc}


def _aggregate(x, s2s, s2d, dif, W, rel_vec, att_vec):
    # ConsisMeanAggregator: GraphSAGE mean aggregation + relation-aware attention
    dst_features = jnp.take(x, s2d, axis=0)
    src_features = jnp.take(x, s2s, axis=0)
    aggregated = dif @ src_features
    concatenated = jnp.concatenate([aggregated, dst_features], axis=1)
    h = concatenated @ W
    rel = jnp.tile(rel_vec[None, :], (h.shape[0], 1))
    logits = jnp.squeeze(jnp.concatenate([h, rel], axis=1) @ att_vec, axis=1)
    att = jax.nn.softmax(logits, axis=0)
    return h * att[:, None]


def reference(features, src_nodes, s2s1, s2d1, dif1, s2s2, s2d2, dif2,
              W1, W2, attention_vec, relation_vectors, Wc):
    xs = []
    for i in range(NUM_RELATIONS):
        x = jnp.take(features, src_nodes[i], axis=0)
        x = _aggregate(x, s2s1[i], s2d1[i], dif1[i], W1, relation_vectors[i], attention_vec)
        x = _aggregate(x, s2s2[i], s2d2[i], dif2[i], W2, relation_vectors[i], attention_vec)
        xs.append(x)
    summed = jnp.sum(jnp.stack(xs, axis=1), axis=1)
    normed = summed * jax.lax.rsqrt(jnp.maximum(jnp.sum(summed * summed, axis=1, keepdims=True), 1e-12))
    return jax.nn.softmax(normed @ Wc, axis=-1)

if __name__ == "__main__":
    import jax
    _d = setup_inputs()
    print(jax.jit(kernel)(*tuple(_d.values())))

</pallas_src>

<mosaic_0001>
#map = affine_map<(d0, d1) -> (0, 0)>
#map1 = affine_map<(d0, d1) -> (0)>
module attributes {stable_mosaic.version = 14 : i64} {
  func.func @k(%arg0: i32, %arg1: i32, %arg2: memref<50000x256xf32, #tpu.memory_space<hbm>>, %arg3: memref<24576xi32, #tpu.memory_space<hbm>>, %arg4: memref<24576xi32, #tpu.memory_space<hbm>>, %arg5: memref<3072xi32, #tpu.memory_space<hbm>>, %arg6: memref<24576x256xf32, #tpu.memory_space<hbm>>, %arg7: memref<3072x256xf32, #tpu.memory_space<hbm>>, %arg8: memref<24576xi32, #tpu.memory_space<vmem>>, %arg9: memref<768xi32, #tpu.memory_space<vmem>>, %arg10: memref<96xi32, #tpu.memory_space<vmem>>, %arg11: memref<128xi32, #tpu.memory_space<vmem>>, %arg12: memref<128xi32, #tpu.memory_space<vmem>>, %arg13: memref<128xi32, #tpu.memory_space<vmem>>, %arg14: memref<128xi32, #tpu.memory_space<vmem>>, %arg15: memref<128xi32, #tpu.memory_space<vmem>>, %arg16: memref<128xi32, #tpu.memory_space<vmem>>, %arg17: memref<32xi32, #tpu.memory_space<vmem>>, %arg18: memref<32xi32, #tpu.memory_space<vmem>>, %arg19: memref<32xi32, #tpu.memory_space<vmem>>, %arg20: memref<128x256xf32, #tpu.memory_space<vmem>>, %arg21: memref<128x256xf32, #tpu.memory_space<vmem>>, %arg22: memref<32x256xf32, #tpu.memory_space<vmem>>, %arg23: memref<32x256xf32, #tpu.memory_space<vmem>>, %arg24: memref<!tpu.dma_semaphore, #tpu.memory_space<semaphore_mem>>, %arg25: memref<!tpu.dma_semaphore, #tpu.memory_space<semaphore_mem>>, %arg26: memref<!tpu.dma_semaphore, #tpu.memory_space<semaphore_mem>>, %arg27: memref<!tpu.dma_semaphore, #tpu.memory_space<semaphore_mem>>, %arg28: memref<!tpu.dma_semaphore, #tpu.memory_space<semaphore_mem>>) attributes {dimension_semantics = [#tpu.dimension_semantics<core_parallel>, #tpu.dimension_semantics<subcore_parallel>], iteration_bounds = array<i64: 2, 16>, scalar_prefetch = 0 : i64, scratch_operands = 21 : i64, tpu.core_type = #tpu.core_type<sc_vector_subcore>, window_params = [{transform_indices = #map}, {transform_indices = #map1}, {transform_indices = #map1}, {transform_indices = #map1}, {transform_indices = #map}, {transform_indices = #map}]} {
    %mul3A = arith.constant 2 : i32
    %mul3A_0 = arith.muli %arg1, %mul3A : i32
    %add3A = arith.addi %mul3A_0, %arg0 : i32
    tpu.enqueue_dma source(%arg3 : memref<24576xi32, #tpu.memory_space<hbm>>) target(%arg8 : memref<24576xi32, #tpu.memory_space<vmem>>) target_semaphore(%arg24 : memref<!tpu.dma_semaphore, #tpu.memory_space<semaphore_mem>>)
    %mul3A_1 = arith.constant 256 : i32
    %mul3A_2 = arith.muli %add3A, %mul3A_1 : i32
    %add3A_3 = arith.constant 0 : i32
    %add3A_4 = arith.addi %add3A_3, %mul3A_2 : i32
    %dma_start3A = arith.constant 0 : i32
    %dma_start3A_5 = tpu.memref_slice %arg9[%dma_start3A] : memref<768xi32, #tpu.memory_space<vmem>> -> memref<256xi32, #tpu.memory_space<vmem>>
    %dma_start3A_6 = tpu.memref_slice %arg4[%add3A_4] : memref<24576xi32, #tpu.memory_space<hbm>> -> memref<256xi32, #tpu.memory_space<hbm>>
    %dma_start3A_7 = arith.constant 0 : i32
    %dma_start3A_8 = tpu.memref_slice %arg9[%dma_start3A_7] : memref<768xi32, #tpu.memory_space<vmem>> -> memref<256xi32, #tpu.memory_space<vmem>>
    %dma_start3A_9 = tpu.memref_slice %arg4[%add3A_4] : memref<24576xi32, #tpu.memory_space<hbm>> -> memref<256xi32, #tpu.memory_space<hbm>>
    tpu.enqueue_dma source(%dma_start3A_9 : memref<256xi32, #tpu.memory_space<hbm>>) target(%dma_start3A_8 : memref<256xi32, #tpu.memory_space<vmem>>) target_semaphore(%arg24 : memref<!tpu.dma_semaphore, #tpu.memory_space<semaphore_mem>>)
    %mul3A_10 = arith.constant 32 : i32
    %mul3A_11 = arith.muli %add3A, %mul3A_10 : i32
    %add3A_12 = arith.constant 0 : i32
    %add3A_13 = arith.addi %add3A_12, %mul3A_11 : i32
    %dma_start3A_14 = arith.constant 0 : i32
    %dma_start3A_15 = tpu.memref_slice %arg10[%dma_start3A_14] : memref<96xi32, #tpu.memory_space<vmem>> -> memref<32xi32, #tpu.memory_space<vmem>>
    %dma_start3A_16 = tpu.memref_slice %arg5[%add3A_13] : memref<3072xi32, #tpu.memory_space<hbm>> -> memref<32xi32, #tpu.memory_space<hbm>>
    %dma_start3A_17 = arith.constant 0 : i32
    %dma_start3A_18 = tpu.memref_slice %arg10[%dma_start3A_17] : memref<96xi32, #tpu.memory_space<vmem>> -> memref<32xi32, #tpu.memory_space<vmem>>
    %dma_start3A_19 = tpu.memref_slice %arg5[%add3A_13] : memref<3072xi32, #tpu.memory_space<hbm>> -> memref<32xi32, #tpu.memory_space<hbm>>
    tpu.enqueue_dma source(%dma_start3A_19 : memref<32xi32, #tpu.memory_space<hbm>>) target(%dma_start3A_18 : memref<32xi32, #tpu.memory_space<vmem>>) target_semaphore(%arg24 : memref<!tpu.dma_semaphore, #tpu.memory_space<semaphore_mem>>)
    %mul3A_20 = arith.constant 256 : i32
    %mul3A_21 = arith.muli %add3A, %mul3A_20 : i32
    %add3A_22 = arith.constant 8192 : i32
    %add3A_23 = arith.addi %add3A_22, %mul3A_21 : i32
    %dma_start3A_24 = arith.constant 256 : i32
    %dma_start3A_25 = tpu.memref_slice %arg9[%dma_start3A_24] : memref<768xi32, #tpu.memory_space<vmem>> -> memref<256xi32, #tpu.memory_space<vmem>>
    %dma_start3A_26 = tpu.memref_slice %arg4[%add3A_23] : memref<24576xi32, #tpu.memory_space<hbm>> -> memref<256xi32, #tpu.memory_space<hbm>>
    %dma_start3A_27 = arith.constant 256 : i32
    %dma_start3A_28 = tpu.memref_slice %arg9[%dma_start3A_27] : memref<768xi32, #tpu.memory_space<vmem>> -> memref<256xi32, #tpu.memory_space<vmem>>
    %dma_start3A_29 = tpu.memref_slice %arg4[%add3A_23] : memref<24576xi32, #tpu.memory_space<hbm>> -> memref<256xi32, #tpu.memory_space<hbm>>
    tpu.enqueue_dma source(%dma_start3A_29 : memref<256xi32, #tpu.memory_space<hbm>>) target(%dma_start3A_28 : memref<256xi32, #tpu.memory_space<vmem>>) target_semaphore(%arg24 : memref<!tpu.dma_semaphore, #tpu.memory_space<semaphore_mem>>)
    %mul3A_30 = arith.constant 32 : i32
    %mul3A_31 = arith.muli %add3A, %mul3A_30 : i32
    %add3A_32 = arith.constant 1024 : i32
    %add3A_33 = arith.addi %add3A_32, %mul3A_31 : i32
    %dma_start3A_34 = arith.constant 32 : i32
    %dma_start3A_35 = tpu.memref_slice %arg10[%dma_start3A_34] : memref<96xi32, #tpu.memory_space<vmem>> -> memref<32xi32, #tpu.memory_space<vmem>>
    %dma_start3A_36 = tpu.memref_slice %arg5[%add3A_33] : memref<3072xi32, #tpu.memory_space<hbm>> -> memref<32xi32, #tpu.memory_space<hbm>>
    %dma_start3A_37 = arith.constant 32 : i32
    %dma_start3A_38 = tpu.memref_slice %arg10[%dma_start3A_37] : memref<96xi32, #tpu.memory_space<vmem>> -> memref<32xi32, #tpu.memory_space<vmem>>
    %dma_start3A_39 = tpu.memref_slice %arg5[%add3A_33] : memref<3072xi32, #tpu.memory_space<hbm>> -> memref<32xi32, #tpu.memory_space<hbm>>
    tpu.enqueue_dma source(%dma_start3A_39 : memref<32xi32, #tpu.memory_space<hbm>>) target(%dma_start3A_38 : memref<32xi32, #tpu.memory_space<vmem>>) target_semaphore(%arg24 : memref<!tpu.dma_semaphore, #tpu.memory_space<semaphore_mem>>)
    %mul3A_40 = arith.constant 256 : i32
    %mul3A_41 = arith.muli %add3A, %mul3A_40 : i32
    %add3A_42 = arith.constant 16384 : i32
    %add3A_43 = arith.addi %add3A_42, %mul3A_41 : i32
    %dma_start3A_44 = arith.constant 512 : i32
    %dma_start3A_45 = tpu.memref_slice %arg9[%dma_start3A_44] : memref<768xi32, #tpu.memory_space<vmem>> -> memref<256xi32, #tpu.memory_space<vmem>>
    %dma_start3A_46 = tpu.memref_slice %arg4[%add3A_43] : memref<24576xi32, #tpu.memory_space<hbm>> -> memref<256xi32, #tpu.memory_space<hbm>>
    %dma_start3A_47 = arith.constant 512 : i32
    %dma_start3A_48 = tpu.memref_slice %arg9[%dma_start3A_47] : memref<768xi32, #tpu.memory_space<vmem>> -> memref<256xi32, #tpu.memory_space<vmem>>
    %dma_start3A_49 = tpu.memref_slice %arg4[%add3A_43] : memref<24576xi32, #tpu.memory_space<hbm>> -> memref<256xi32, #tpu.memory_space<hbm>>
    tpu.enqueue_dma source(%dma_start3A_49 : memref<256xi32, #tpu.memory_space<hbm>>) target(%dma_start3A_48 : memref<256xi32, #tpu.memory_space<vmem>>) target_semaphore(%arg24 : memref<!tpu.dma_semaphore, #tpu.memory_space<semaphore_mem>>)
    %mul3A_50 = arith.constant 32 : i32
    %mul3A_51 = arith.muli %add3A, %mul3A_50 : i32
    %add3A_52 = arith.constant 2048 : i32
    %add3A_53 = arith.addi %add3A_52, %mul3A_51 : i32
    %dma_start3A_54 = arith.constant 64 : i32
    %dma_start3A_55 = tpu.memref_slice %arg10[%dma_start3A_54] : memref<96xi32, #tpu.memory_space<vmem>> -> memref<32xi32, #tpu.memory_space<vmem>>
    %dma_start3A_56 = tpu.memref_slice %arg5[%add3A_53] : memref<3072xi32, #tpu.memory_space<hbm>> -> memref<32xi32, #tpu.memory_space<hbm>>
    %dma_start3A_57 = arith.constant 64 : i32
    %dma_start3A_58 = tpu.memref_slice %arg10[%dma_start3A_57] : memref<96xi32, #tpu.memory_space<vmem>> -> memref<32xi32, #tpu.memory_space<vmem>>
    %dma_start3A_59 = tpu.memref_slice %arg5[%add3A_53] : memref<3072xi32, #tpu.memory_space<hbm>> -> memref<32xi32, #tpu.memory_space<hbm>>
    tpu.enqueue_dma source(%dma_start3A_59 : memref<32xi32, #tpu.memory_space<hbm>>) target(%dma_start3A_58 : memref<32xi32, #tpu.memory_space<vmem>>) target_semaphore(%arg24 : memref<!tpu.dma_semaphore, #tpu.memory_space<semaphore_mem>>)
    tpu.wait_dma2 semaphore(%arg24 : memref<!tpu.dma_semaphore, #tpu.memory_space<semaphore_mem>>) src(%arg3 : memref<24576xi32, #tpu.memory_space<hbm>>) dst(%arg8 : memref<24576xi32, #tpu.memory_space<vmem>>)
    %dma_wait3A = arith.constant 0 : i32
    %dma_wait3A_60 = tpu.memref_slice %arg9[%dma_wait3A] : memref<768xi32, #tpu.memory_space<vmem>> -> memref<256xi32, #tpu.memory_space<vmem>>
    %dma_wait3A_61 = tpu.memref_slice %arg4[%add3A_4] : memref<24576xi32, #tpu.memory_space<hbm>> -> memref<256xi32, #tpu.memory_space<hbm>>
    %dma_wait3A_62 = arith.constant 0 : i32
    %dma_wait3A_63 = tpu.memref_slice %arg9[%dma_wait3A_62] : memref<768xi32, #tpu.memory_space<vmem>> -> memref<256xi32, #tpu.memory_space<vmem>>
    %dma_wait3A_64 = tpu.memref_slice %arg4[%add3A_4] : memref<24576xi32, #tpu.memory_space<hbm>> -> memref<256xi32, #tpu.memory_space<hbm>>
    tpu.wait_dma2 semaphore(%arg24 : memref<!tpu.dma_semaphore, #tpu.memory_space<semaphore_mem>>) src(%dma_wait3A_64 : memref<256xi32, #tpu.memory_space<hbm>>) dst(%dma_wait3A_63 : memref<256xi32, #tpu.memory_space<vmem>>)
    %dma_wait3A_65 = arith.constant 0 : i32
    %dma_wait3A_66 = tpu.memref_slice %arg10[%dma_wait3A_65] : memref<96xi32, #tpu.memory_space<vmem>> -> memref<32xi32, #tpu.memory_space<vmem>>
    %dma_wait3A_67 = tpu.memref_slice %arg5[%add3A_13] : memref<3072xi32, #tpu.memory_space<hbm>> -> memref<32xi32, #tpu.memory_space<hbm>>
    %dma_wait3A_68 = arith.constant 0 : i32
    %dma_wait3A_69 = tpu.memref_slice %arg10[%dma_wait3A_68] : memref<96xi32, #tpu.memory_space<vmem>> -> memref<32xi32, #tpu.memory_space<vmem>>
    %dma_wait3A_70 = tpu.memref_slice %arg5[%add3A_13] : memref<3072xi32, #tpu.memory_space<hbm>> -> memref<32xi32, #tpu.memory_space<hbm>>
    tpu.wait_dma2 semaphore(%arg24 : memref<!tpu.dma_semaphore, #tpu.memory_space<semaphore_mem>>) src(%dma_wait3A_70 : memref<32xi32, #tpu.memory_space<hbm>>) dst(%dma_wait3A_69 : memref<32xi32, #tpu.memory_space<vmem>>)
    %dma_wait3A_71 = arith.constant 256 : i32
    %dma_wait3A_72 = tpu.memref_slice %arg9[%dma_wait3A_71] : memref<768xi32, #tpu.memory_space<vmem>> -> memref<256xi32, #tpu.memory_space<vmem>>
    %dma_wait3A_73 = tpu.memref_slice %arg4[%add3A_23] : memref<24576xi32, #tpu.memory_space<hbm>> -> memref<256xi32, #tpu.memory_space<hbm>>
    %dma_wait3A_74 = arith.constant 256 : i32
    %dma_wait3A_75 = tpu.memref_slice %arg9[%dma_wait3A_74] : memref<768xi32, #tpu.memory_space<vmem>> -> memref<256xi32, #tpu.memory_space<vmem>>
    %dma_wait3A_76 = tpu.memref_slice %arg4[%add3A_23] : memref<24576xi32, #tpu.memory_space<hbm>> -> memref<256xi32, #tpu.memory_space<hbm>>
    tpu.wait_dma2 semaphore(%arg24 : memref<!tpu.dma_semaphore, #tpu.memory_space<semaphore_mem>>) src(%dma_wait3A_76 : memref<256xi32, #tpu.memory_space<hbm>>) dst(%dma_wait3A_75 : memref<256xi32, #tpu.memory_space<vmem>>)
    %dma_wait3A_77 = arith.constant 32 : i32
    %dma_wait3A_78 = tpu.memref_slice %arg10[%dma_wait3A_77] : memref<96xi32, #tpu.memory_space<vmem>> -> memref<32xi32, #tpu.memory_space<vmem>>
    %dma_wait3A_79 = tpu.memref_slice %arg5[%add3A_33] : memref<3072xi32, #tpu.memory_space<hbm>> -> memref<32xi32, #tpu.memory_space<hbm>>
    %dma_wait3A_80 = arith.constant 32 : i32
    %dma_wait3A_81 = tpu.memref_slice %arg10[%dma_wait3A_80] : memref<96xi32, #tpu.memory_space<vmem>> -> memref<32xi32, #tpu.memory_space<vmem>>
    %dma_wait3A_82 = tpu.memref_slice %arg5[%add3A_33] : memref<3072xi32, #tpu.memory_space<hbm>> -> memref<32xi32, #tpu.memory_space<hbm>>
    tpu.wait_dma2 semaphore(%arg24 : memref<!tpu.dma_semaphore, #tpu.memory_space<semaphore_mem>>) src(%dma_wait3A_82 : memref<32xi32, #tpu.memory_space<hbm>>) dst(%dma_wait3A_81 : memref<32xi32, #tpu.memory_space<vmem>>)
    %dma_wait3A_83 = arith.constant 512 : i32
    %dma_wait3A_84 = tpu.memref_slice %arg9[%dma_wait3A_83] : memref<768xi32, #tpu.memory_space<vmem>> -> memref<256xi32, #tpu.memory_space<vmem>>
    %dma_wait3A_85 = tpu.memref_slice %arg4[%add3A_43] : memref<24576xi32, #tpu.memory_space<hbm>> -> memref<256xi32, #tpu.memory_space<hbm>>
    %dma_wait3A_86 = arith.constant 512 : i32
    %dma_wait3A_87 = tpu.memref_slice %arg9[%dma_wait3A_86] : memref<768xi32, #tpu.memory_space<vmem>> -> memref<256xi32, #tpu.memory_space<vmem>>
    %dma_wait3A_88 = tpu.memref_slice %arg4[%add3A_43] : memref<24576xi32, #tpu.memory_space<hbm>> -> memref<256xi32, #tpu.memory_space<hbm>>
    tpu.wait_dma2 semaphore(%arg24 : memref<!tpu.dma_semaphore, #tpu.memory_space<semaphore_mem>>) src(%dma_wait3A_88 : memref<256xi32, #tpu.memory_space<hbm>>) dst(%dma_wait3A_87 : memref<256xi32, #tpu.memory_space<vmem>>)
    %dma_wait3A_89 = arith.constant 64 : i32
    %dma_wait3A_90 = tpu.memref_slice %arg10[%dma_wait3A_89] : memref<96xi32, #tpu.memory_space<vmem>> -> memref<32xi32, #tpu.memory_space<vmem>>
    %dma_wait3A_91 = tpu.memref_slice %arg5[%add3A_53] : memref<3072xi32, #tpu.memory_space<hbm>> -> memref<32xi32, #tpu.memory_space<hbm>>
    %dma_wait3A_92 = arith.constant 64 : i32
    %dma_wait3A_93 = tpu.memref_slice %arg10[%dma_wait3A_92] : memref<96xi32, #tpu.memory_space<vmem>> -> memref<32xi32, #tpu.memory_space<vmem>>
    %dma_wait3A_94 = tpu.memref_slice %arg5[%add3A_53] : memref<3072xi32, #tpu.memory_space<hbm>> -> memref<32xi32, #tpu.memory_space<hbm>>
    tpu.wait_dma2 semaphore(%arg24 : memref<!tpu.dma_semaphore, #tpu.memory_space<semaphore_mem>>) src(%dma_wait3A_94 : memref<32xi32, #tpu.memory_space<hbm>>) dst(%dma_wait3A_93 : memref<32xi32, #tpu.memory_space<vmem>>)
    %get3A = arith.constant 0 : index
    %get3A_95 = tpu.vector_load %arg9[%get3A] {strides = array<i32>} : memref<768xi32, #tpu.memory_space<vmem>>, vector<16xi32>,
    %add3A_96 = arith.constant 0 : i32
    %add3A_97 = vector.broadcast %add3A_96 : i32 to vector<16xi32>
    %add3A_98 = arith.addi %get3A_95, %add3A_97 : vector<16xi32>
    %gather3A = tpu.vector_load_idx %arg8[%add3A_98] : memref<24576xi32, #tpu.memory_space<vmem>>[vector<16xi32>], vector<16xi32>,
    %swap3A = arith.constant 0 : index
    %swap3A_99 = tpu.vector_load %arg11[%swap3A] {strides = array<i32>} : memref<128xi32, #tpu.memory_space<vmem>>, vector<16xi32>,
    tpu.vector_store %arg11[%swap3A], %gather3A {strides = array<i32>} : memref<128xi32, #tpu.memory_space<vmem>>, vector<16xi32>,
    %get3A_100 = arith.constant 16 : index
    %get3A_101 = tpu.vector_load %arg9[%get3A_100] {strides = array<i32>} : memref<768xi32, #tpu.memory_space<vmem>>, vector<16xi32>,
    %add3A_102 = arith.constant 0 : i32
    %add3A_103 = vector.broadcast %add3A_102 : i32 to vector<16xi32>
    %add3A_104 = arith.addi %get3A_101, %add3A_103 : vector<16xi32>
    %gather3A_105 = tpu.vector_load_idx %arg8[%add3A_104] : memref<24576xi32, #tpu.memory_space<vmem>>[vector<16xi32>], vector<16xi32>,
    %swap3A_106 = arith.constant 16 : index
    %swap3A_107 = tpu.vector_load %arg11[%swap3A_106] {strides = array<i32>} : memref<128xi32, #tpu.memory_space<vmem>>, vector<16xi32>,
    tpu.vector_store %arg11[%swap3A_106], %gather3A_105 {strides = array<i32>} : memref<128xi32, #tpu.memory_space<vmem>>, vector<16xi32>,
    %get3A_108 = arith.constant 32 : index
    %get3A_109 = tpu.vector_load %arg9[%get3A_108] {strides = array<i32>} : memref<768xi32, #tpu.memory_space<vmem>>, vector<16xi32>,
    %add3A_110 = arith.constant 0 : i32
    %add3A_111 = vector.broadcast %add3A_110 : i32 to vector<16xi32>
    %add3A_112 = arith.addi %get3A_109, %add3A_111 : vector<16xi32>
    %gather3A_113 = tpu.vector_load_idx %arg8[%add3A_112] : memref<24576xi32, #tpu.memory_space<vmem>>[vector<16xi32>], vector<16xi32>,
    %swap3A_114 = arith.constant 32 : index
    %swap3A_115 = tpu.vector_load %arg11[%swap3A_114] {strides = array<i32>} : memref<128xi32, #tpu.memory_space<vmem>>, vector<16xi32>,
    tpu.vector_store %arg11[%swap3A_114], %gather3A_113 {strides = array<i32>} : memref<128xi32, #tpu.memory_space<vmem>>, vector<16xi32>,
    %get3A_116 = arith.constant 48 : index
    %get3A_117 = tpu.vector_load %arg9[%get3A_116] {strides = array<i32>} : memref<768xi32, #tpu.memory_space<vmem>>, vector<16xi32>,
    %add3A_118 = arith.constant 0 : i32
    %add3A_119 = vector.broadcast %add3A_118 : i32 to vector<16xi32>
    %add3A_120 = arith.addi %get3A_117, %add3A_119 : vector<16xi32>
    %gather3A_121 = tpu.vector_load_idx %arg8[%add3A_120] : memref<24576xi32, #tpu.memory_space<vmem>>[vector<16xi32>], vector<16xi32>,
    %swap3A_122 = arith.constant 48 : index
    %swap3A_123 = tpu.vector_load %arg11[%swap3A_122] {strides = array<i32>} : memref<128xi32, #tpu.memory_space<vmem>>, vector<16xi32>,
    tpu.vector_store %arg11[%swap3A_122], %gather3A_121 {strides = array<i32>} : memref<128xi32, #tpu.memory_space<vmem>>, vector<16xi32>,
    %get3A_124 = arith.constant 64 : index
    %get3A_125 = tpu.vector_load %arg9[%get3A_124] {strides = array<i32>} : memref<768xi32, #tpu.memory_space<vmem>>, vector<16xi32>,
    %add3A_126 = arith.constant 0 : i32
    %add3A_127 = vector.broadcast %add3A_126 : i32 to vector<16xi32>
    %add3A_128 = arith.addi %get3A_125, %add3A_127 : vector<16xi32>
    %gather3A_129 = tpu.vector_load_idx %arg8[%add3A_128] : memref<24576xi32, #tpu.memory_space<vmem>>[vector<16xi32>], vector<16xi32>,
    %swap3A_130 = arith.constant 64 : index
    %swap3A_131 = tpu.vector_load %arg11[%swap3A_130] {strides = array<i32>} : memref<128xi32, #tpu.memory_space<vmem>>, vector<16xi32>,
    tpu.vector_store %arg11[%swap3A_130], %gather3A_129 {strides = array<i32>} : memref<128xi32, #tpu.memory_space<vmem>>, vector<16xi32>,
    %get3A_132 = arith.constant 80 : index
    %get3A_133 = tpu.vector_load %arg9[%get3A_132] {strides = array<i32>} : memref<768xi32, #tpu.memory_space<vmem>>, vector<16xi32>,
    %add3A_134 = arith.constant 0 : i32
    %add3A_135 = vector.broadcast %add3A_134 : i32 to vector<16xi32>
    %add3A_136 = arith.addi %get3A_133, %add3A_135 : vector<16xi32>
    %gather3A_137 = tpu.vector_load_idx %arg8[%add3A_136] : memref<24576xi32, #tpu.memory_space<vmem>>[vector<16xi32>], vector<16xi32>,
    %swap3A_138 = arith.constant 80 : index
    %swap3A_139 = tpu.vector_load %arg11[%swap3A_138] {strides = array<i32>} : memref<128xi32, #tpu.memory_space<vmem>>, vector<16xi32>,
    tpu.vector_store %arg11[%swap3A_138], %gather3A_137 {strides = array<i32>} : memref<128xi32, #tpu.memory_space<vmem>>, vector<16xi32>,
    %get3A_140 = arith.constant 96 : index
    %get3A_141 = tpu.vector_load %arg9[%get3A_140] {strides = array<i32>} : memref<768xi32, #tpu.memory_space<vmem>>, vector<16xi32>,
    %add3A_142 = arith.constant 0 : i32
    %add3A_143 = vector.broadcast %add3A_142 : i32 to vector<16xi32>
    %add3A_144 = arith.addi %get3A_141, %add3A_143 : vector<16xi32>
    %gather3A_145 = tpu.vector_load_idx %arg8[%add3A_144] : memref<24576xi32, #tpu.memory_space<vmem>>[vector<16xi32>], vector<16xi32>,
    %swap3A_146 = arith.constant 96 : index
    %swap3A_147 = tpu.vector_load %arg11[%swap3A_146] {strides = array<i32>} : memref<128xi32, #tpu.memory_space<vmem>>, vector<16xi32>,
    tpu.vector_store %arg11[%swap3A_146], %gather3A_145 {strides = array<i32>} : memref<128xi32, #tpu.memory_space<vmem>>, vector<16xi32>,
    %get3A_148 = arith.constant 112 : index
    %get3A_149 = tpu.vector_load %arg9[%get3A_148] {strides = array<i32>} : memref<768xi32, #tpu.memory_space<vmem>>, vector<16xi32>,
    %add3A_150 = arith.constant 0 : i32
    %add3A_151 = vector.broadcast %add3A_150 : i32 to vector<16xi32>
    %add3A_152 = arith.addi %get3A_149, %add3A_151 : vector<16xi32>
    %gather3A_153 = tpu.vector_load_idx %arg8[%add3A_152] : memref<24576xi32, #tpu.memory_space<vmem>>[vector<16xi32>], vector<16xi32>,
    %swap3A_154 = arith.constant 112 : index
    %swap3A_155 = tpu.vector_load %arg11[%swap3A_154] {strides = array<i32>} : memref<128xi32, #tpu.memory_space<vmem>>, vector<16xi32>,
    tpu.vector_store %arg11[%swap3A_154], %gather3A_153 {strides = array<i32>} : memref<128xi32, #tpu.memory_space<vmem>>, vector<16xi32>,
    %get3A_156 = arith.constant 128 : index
    %get3A_157 = tpu.vector_load %arg9[%get3A_156] {strides = array<i32>} : memref<768xi32, #tpu.memory_space<vmem>>, vector<16xi32>,
    %add3A_158 = arith.constant 0 : i32
    %add3A_159 = vector.broadcast %add3A_158 : i32 to vector<16xi32>
    %add3A_160 = arith.addi %get3A_157, %add3A_159 : vector<16xi32>
    %gather3A_161 = tpu.vector_load_idx %arg8[%add3A_160] : memref<24576xi32, #tpu.memory_space<vmem>>[vector<16xi32>], vector<16xi32>,
    %swap3A_162 = arith.constant 0 : index
    %swap3A_163 = tpu.vector_load %arg12[%swap3A_162] {strides = array<i32>} : memref<128xi32, #tpu.memory_space<vmem>>, vector<16xi32>,
    tpu.vector_store %arg12[%swap3A_162], %gather3A_161 {strides = array<i32>} : memref<128xi32, #tpu.memory_space<vmem>>, vector<16xi32>,
    %get3A_164 = arith.constant 144 : index
    %get3A_165 = tpu.vector_load %arg9[%get3A_164] {strides = array<i32>} : memref<768xi32, #tpu.memory_space<vmem>>, vector<16xi32>,
    %add3A_166 = arith.constant 0 : i32
    %add3A_167 = vector.broadcast %add3A_166 : i32 to vector<16xi32>
    %add3A_168 = arith.addi %get3A_165, %add3A_167 : vector<16xi32>
    %gather3A_169 = tpu.vector_load_idx %arg8[%add3A_168] : memref<24576xi32, #tpu.memory_space<vmem>>[vector<16xi32>], vector<16xi32>,
    %swap3A_170 = arith.constant 16 : index
    %swap3A_171 = tpu.vector_load %arg12[%swap3A_170] {strides = array<i32>} : memref<128xi32, #tpu.memory_space<vmem>>, vector<16xi32>,
    tpu.vector_store %arg12[%swap3A_170], %gather3A_169 {strides = array<i32>} : memref<128xi32, #tpu.memory_space<vmem>>, vector<16xi32>,
    %get3A_172 = arith.constant 160 : index
    %get3A_173 = tpu.vector_load %arg9[%get3A_172] {strides = array<i32>} : memref<768xi32, #tpu.memory_space<vmem>>, vector<16xi32>,
    %add3A_174 = arith.constant 0 : i32
    %add3A_175 = vector.broadcast %add3A_174 : i32 to vector<16xi32>
    %add3A_176 = arith.addi %get3A_173, %add3A_175 : vector<16xi32>
    %gather3A_177 = tpu.vector_load_idx %arg8[%add3A_176] : memref<24576xi32, #tpu.memory_space<vmem>>[vector<16xi32>], vector<16xi32>,
    %swap3A_178 = arith.constant 32 : index
    %swap3A_179 = tpu.vector_load %arg12[%swap3A_178] {strides = array<i32>} : memref<128xi32, #tpu.memory_space<vmem>>, vector<16xi32>,
    tpu.vector_store %arg12[%swap3A_178], %gather3A_177 {strides = array<i32>} : memref<128xi32, #tpu.memory_space<vmem>>, vector<16xi32>,
    %get3A_180 = arith.constant 176 : index
    %get3A_181 = tpu.vector_load %arg9[%get3A_180] {strides = array<i32>} : memref<768xi32, #tpu.memory_space<vmem>>, vector<16xi32>,
    %add3A_182 = arith.constant 0 : i32
    %add3A_183 = vector.broadcast %add3A_182 : i32 to vector<16xi32>
    %add3A_184 = arith.addi %get3A_181, %add3A_183 : vector<16xi32>
    %gather3A_185 = tpu.vector_load_idx %arg8[%add3A_184] : memref<24576xi32, #tpu.memory_space<vmem>>[vector<16xi32>], vector<16xi32>,
    %swap3A_186 = arith.constant 48 : index
    %swap3A_187 = tpu.vector_load %arg12[%swap3A_186] {strides = array<i32>} : memref<128xi32, #tpu.memory_space<vmem>>, vector<16xi32>,
    tpu.vector_store %arg12[%swap3A_186], %gather3A_185 {strides = array<i32>} : memref<128xi32, #tpu.memory_space<vmem>>, vector<16xi32>,
    %get3A_188 = arith.constant 192 : index
    %get3A_189 = tpu.vector_load %arg9[%get3A_188] {strides = array<i32>} : memref<768xi32, #tpu.memory_space<vmem>>, vector<16xi32>,
    %add3A_190 = arith.constant 0 : i32
    %add3A_191 = vector.broadcast %add3A_190 : i32 to vector<16xi32>
    %add3A_192 = arith.addi %get3A_189, %add3A_191 : vector<16xi32>
    %gather3A_193 = tpu.vector_load_idx %arg8[%add3A_192] : memref<24576xi32, #tpu.memory_space<vmem>>[vector<16xi32>], vector<16xi32>,
    %swap3A_194 = arith.constant 64 : index
    %swap3A_195 = tpu.vector_load %arg12[%swap3A_194] {strides = array<i32>} : memref<128xi32, #tpu.memory_space<vmem>>, vector<16xi32>,
    tpu.vector_store %arg12[%swap3A_194], %gather3A_193 {strides = array<i32>} : memref<128xi32, #tpu.memory_space<vmem>>, vector<16xi32>,
    %get3A_196 = arith.constant 208 : index
    %get3A_197 = tpu.vector_load %arg9[%get3A_196] {strides = array<i32>} : memref<768xi32, #tpu.memory_space<vmem>>, vector<16xi32>,
    %add3A_198 = arith.constant 0 : i32
    %add3A_199 = vector.broadcast %add3A_198 : i32 to vector<16xi32>
    %add3A_200 = arith.addi %get3A_197, %add3A_199 : vector<16xi32>
    %gather3A_201 = tpu.vector_load_idx %arg8[%add3A_200] : memref<24576xi32, #tpu.memory_space<vmem>>[vector<16xi32>], vector<16xi32>,
    %swap3A_202 = arith.constant 80 : index
    %swap3A_203 = tpu.vector_load %arg12[%swap3A_202] {strides = array<i32>} : memref<128xi32, #tpu.memory_space<vmem>>, vector<16xi32>,
    tpu.vector_store %arg12[%swap3A_202], %gather3A_201 {strides = array<i32>} : memref<128xi32, #tpu.memory_space<vmem>>, vector<16xi32>,
    %get3A_204 = arith.constant 224 : index
    %get3A_205 = tpu.vector_load %arg9[%get3A_204] {strides = array<i32>} : memref<768xi32, #tpu.memory_space<vmem>>, vector<16xi32>,
    %add3A_206 = arith.constant 0 : i32
    %add3A_207 = vector.broadcast %add3A_206 : i32 to vector<16xi32>
    %add3A_208 = arith.addi %get3A_205, %add3A_207 : vector<16xi32>
    %gather3A_209 = tpu.vector_load_idx %arg8[%add3A_208] : memref<24576xi32, #tpu.memory_space<vmem>>[vector<16xi32>], vector<16xi32>,
    %swap3A_210 = arith.constant 96 : index
    %swap3A_211 = tpu.vector_load %arg12[%swap3A_210] {strides = array<i32>} : memref<128xi32, #tpu.memory_space<vmem>>, vector<16xi32>,
    tpu.vector_store %arg12[%swap3A_210], %gather3A_209 {strides = array<i32>} : memref<128xi32, #tpu.memory_space<vmem>>, vector<16xi32>,
    %get3A_212 = arith.constant 240 : index
    %get3A_213 = tpu.vector_load %arg9[%get3A_212] {strides = array<i32>} : memref<768xi32, #tpu.memory_space<vmem>>, vector<16xi32>,
    %add3A_214 = arith.constant 0 : i32
    %add3A_215 = vector.broadcast %add3A_214 : i32 to vector<16xi32>
    %add3A_216 = arith.addi %get3A_213, %add3A_215 : vector<16xi32>
    %gather3A_217 = tpu.vector_load_idx %arg8[%add3A_216] : memref<24576xi32, #tpu.memory_space<vmem>>[vector<16xi32>], vector<16xi32>,
    %swap3A_218 = arith.constant 112 : index
    %swap3A_219 = tpu.vector_load %arg12[%swap3A_218] {strides = array<i32>} : memref<128xi32, #tpu.memory_space<vmem>>, vector<16xi32>,
    tpu.vector_store %arg12[%swap3A_218], %gather3A_217 {strides = array<i32>} : memref<128xi32, #tpu.memory_space<vmem>>, vector<16xi32>,
    %get3A_220 = arith.constant 0 : index
    %get3A_221 = tpu.vector_load %arg10[%get3A_220] {strides = array<i32>} : memref<96xi32, #tpu.memory_space<vmem>>, vector<16xi32>,
    %add3A_222 = arith.constant 0 : i32
    %add3A_223 = vector.broadcast %add3A_222 : i32 to vector<16xi32>
    %add3A_224 = arith.addi %get3A_221, %add3A_223 : vector<16xi32>
    %gather3A_225 = tpu.vector_load_idx %arg8[%add3A_224] : memref<24576xi32, #tpu.memory_space<vmem>>[vector<16xi32>], vector<16xi32>,
    %swap3A_226 = arith.constant 0 : index
    %swap3A_227 = tpu.vector_load %arg17[%swap3A_226] {strides = array<i32>} : memref<32xi32, #tpu.memory_space<vmem>>, vector<16xi32>,
    tpu.vector_store %arg17[%swap3A_226], %gather3A_225 {strides = array<i32>} : memref<32xi32, #tpu.memory_space<vmem>>, vector<16xi32>,
    %get3A_228 = arith.constant 16 : index
    %get3A_229 = tpu.vector_load %arg10[%get3A_228] {strides = array<i32>} : memref<96xi32, #tpu.memory_space<vmem>>, vector<16xi32>,
    %add3A_230 = arith.constant 0 : i32
    %add3A_231 = vector.broadcast %add3A_230 : i32 to vector<16xi32>
    %add3A_232 = arith.addi %get3A_229, %add3A_231 : vector<16xi32>
    %gather3A_233 = tpu.vector_load_idx %arg8[%add3A_232] : memref<24576xi32, #tpu.memory_space<vmem>>[vector<16xi32>], vector<16xi32>,
    %swap3A_234 = arith.constant 16 : index
    %swap3A_235 = tpu.vector_load %arg17[%swap3A_234] {strides = array<i32>} : memref<32xi32, #tpu.memory_space<vmem>>, vector<16xi32>,
    tpu.vector_store %arg17[%swap3A_234], %gather3A_233 {strides = array<i32>} : memref<32xi32, #tpu.memory_space<vmem>>, vector<16xi32>,
    %get3A_236 = arith.constant 256 : index
    %get3A_237 = tpu.vector_load %arg9[%get3A_236] {strides = array<i32>} : memref<768xi32, #tpu.memory_space<vmem>>, vector<16xi32>,
    %add3A_238 = arith.constant 8192 : i32
    %add3A_239 = vector.broadcast %add3A_238 : i32 to vector<16xi32>
    %add3A_240 = arith.addi %get3A_237, %add3A_239 : vector<16xi32>
    %gather3A_241 = tpu.vector_load_idx %arg8[%add3A_240] : memref<24576xi32, #tpu.memory_space<vmem>>[vector<16xi32>], vector<16xi32>,
    %swap3A_242 = arith.constant 0 : index
    %swap3A_243 = tpu.vector_load %arg13[%swap3A_242] {strides = array<i32>} : memref<128xi32, #tpu.memory_space<vmem>>, vector<16xi32>,
    tpu.vector_store %arg13[%swap3A_242], %gather3A_241 {strides = array<i32>} : memref<128xi32, #tpu.memory_space<vmem>>, vector<16xi32>,
    %get3A_244 = arith.constant 272 : index
    %get3A_245 = tpu.vector_load %arg9[%get3A_244] {strides = array<i32>} : memref<768xi32, #tpu.memory_space<vmem>>, vector<16xi32>,
    %add3A_246 = arith.constant 8192 : i32
    %add3A_247 = vector.broadcast %add3A_246 : i32 to vector<16xi32>
    %add3A_248 = arith.addi %get3A_245, %add3A_247 : vector<16xi32>
    %gather3A_249 = tpu.vector_load_idx %arg8[%add3A_248] : memref<24576xi32, #tpu.memory_space<vmem>>[vector<16xi32>], vector<16xi32>,
    %swap3A_250 = arith.constant 16 : index
    %swap3A_251 = tpu.vector_load %arg13[%swap3A_250] {strides = array<i32>} : memref<128xi32, #tpu.memory_space<vmem>>, vector<16xi32>,
    tpu.vector_store %arg13[%swap3A_250], %gather3A_249 {strides = array<i32>} : memref<128xi32, #tpu.memory_space<vmem>>, vector<16xi32>,
    %get3A_252 = arith.constant 288 : index
    %get3A_253 = tpu.vector_load %arg9[%get3A_252] {strides = array<i32>} : memref<768xi32, #tpu.memory_space<vmem>>, vector<16xi32>,
    %add3A_254 = arith.constant 8192 : i32
    %add3A_255 = vector.broadcast %add3A_254 : i32 to vector<16xi32>
    %add3A_256 = arith.addi %get3A_253, %add3A_255 : vector<16xi32>
    %gather3A_257 = tpu.vector_load_idx %arg8[%add3A_256] : memref<24576xi32, #tpu.memory_space<vmem>>[vector<16xi32>], vector<16xi32>,
    %swap3A_258 = arith.constant 32 : index
    %swap3A_259 = tpu.vector_load %arg13[%swap3A_258] {strides = array<i32>} : memref<128xi32, #tpu.memory_space<vmem>>, vector<16xi32>,
    tpu.vector_store %arg13[%swap3A_258], %gather3A_257 {strides = array<i32>} : memref<128xi32, #tpu.memory_space<vmem>>, vector<16xi32>,
    %get3A_260 = arith.constant 304 : index
    %get3A_261 = tpu.vector_load %arg9[%get3A_260] {strides = array<i32>} : memref<768xi32, #tpu.memory_space<vmem>>, vector<16xi32>,
    %add3A_262 = arith.constant 8192 : i32
    %add3A_263 = vector.broadcast %add3A_262 : i32 to vector<16xi32>
    %add3A_264 = arith.addi %get3A_261, %add3A_263 : vector<16xi32>
    %gather3A_265 = tpu.vector_load_idx %arg8[%add3A_264] : memref<24576xi32, #tpu.memory_space<vmem>>[vector<16xi32>], vector<16xi32>,
    %swap3A_266 = arith.constant 48 : index
    %swap3A_267 = tpu.vector_load %arg13[%swap3A_266] {strides = array<i32>} : memref<128xi32, #tpu.memory_space<vmem>>, vector<16xi32>,
    tpu.vector_store %arg13[%swap3A_266], %gather3A_265 {strides = array<i32>} : memref<128xi32, #tpu.memory_space<vmem>>, vector<16xi32>,
    %get3A_268 = arith.constant 320 : index
    %get3A_269 = tpu.vector_load %arg9[%get3A_268] {strides = array<i32>} : memref<768xi32, #tpu.memory_space<vmem>>, vector<16xi32>,
    %add3A_270 = arith.constant 8192 : i32
    %add3A_271 = vector.broadcast %add3A_270 : i32 to vector<16xi32>
    %add3A_272 = arith.addi %get3A_269, %add3A_271 : vector<16xi32>
    %gather3A_273 = tpu.vector_load_idx %arg8[%add3A_272] : memref<24576xi32, #tpu.memory_space<vmem>>[vector<16xi32>], vector<16xi32>,
    %swap3A_274 = arith.constant 64 : index
    %swap3A_275 = tpu.vector_load %arg13[%swap3A_274] {strides = array<i32>} : memref<128xi32, #tpu.memory_space<vmem>>, vector<16xi32>,
    tpu.vector_store %arg13[%swap3A_274], %gather3A_273 {strides = array<i32>} : memref<128xi32, #tpu.memory_space<vmem>>, vector<16xi32>,
    %get3A_276 = arith.constant 336 : index
    %get3A_277 = tpu.vector_load %arg9[%get3A_276] {strides = array<i32>} : memref<768xi32, #tpu.memory_space<vmem>>, vector<16xi32>,
    %add3A_278 = arith.constant 8192 : i32
    %add3A_279 = vector.broadcast %add3A_278 : i32 to vector<16xi32>
    %add3A_280 = arith.addi %get3A_277, %add3A_279 : vector<16xi32>
    %gather3A_281 = tpu.vector_load_idx %arg8[%add3A_280] : memref<24576xi32, #tpu.memory_space<vmem>>[vector<16xi32>], vector<16xi32>,
    %swap3A_282 = arith.constant 80 : index
    %swap3A_283 = tpu.vector_load %arg13[%swap3A_282] {strides = array<i32>} : memref<128xi32, #tpu.memory_space<vmem>>, vector<16xi32>,
    tpu.vector_store %arg13[%swap3A_282], %gather3A_281 {strides = array<i32>} : memref<128xi32, #tpu.memory_space<vmem>>, vector<16xi32>,
    %get3A_284 = arith.constant 352 : index
    %get3A_285 = tpu.vector_load %arg9[%get3A_284] {strides = array<i32>} : memref<768xi32, #tpu.memory_space<vmem>>, vector<16xi32>,
    %add3A_286 = arith.constant 8192 : i32
    %add3A_287 = vector.broadcast %add3A_286 : i32 to vector<16xi32>
    %add3A_288 = arith.addi %get3A_285, %add3A_287 : vector<16xi32>
    %gather3A_289 = tpu.vector_load_idx %arg8[%add3A_288] : memref<24576xi32, #tpu.memory_space<vmem>>[vector<16xi32>], vector<16xi32>,
    %swap3A_290 = arith.constant 96 : index
    %swap3A_291 = tpu.vector_load %arg13[%swap3A_290] {strides = array<i32>} : memref<128xi32, #tpu.memory_space<vmem>>, vector<16xi32>,
    tpu.vector_store %arg13[%swap3A_290], %gather3A_289 {strides = array<i32>} : memref<128xi32, #tpu.memory_space<vmem>>, vector<16xi32>,
    %get3A_292 = arith.constant 368 : index
    %get3A_293 = tpu.vector_load %arg9[%get3A_292] {strides = array<i32>} : memref<768xi32, #tpu.memory_space<vmem>>, vector<16xi32>,
    %add3A_294 = arith.constant 8192 : i32
    %add3A_295 = vector.broadcast %add3A_294 : i32 to vector<16xi32>
    %add3A_296 = arith.addi %get3A_293, %add3A_295 : vector<16xi32>
    %gather3A_297 = tpu.vector_load_idx %arg8[%add3A_296] : memref<24576xi32, #tpu.memory_space<vmem>>[vector<16xi32>], vector<16xi32>,
    %swap3A_298 = arith.constant 112 : index
    %swap3A_299 = tpu.vector_load %arg13[%swap3A_298] {strides = array<i32>} : memref<128xi32, #tpu.memory_space<vmem>>, vector<16xi32>,
    tpu.vector_store %arg13[%swap3A_298], %gather3A_297 {strides = array<i32>} : memref<128xi32, #tpu.memory_space<vmem>>, vector<16xi32>,
    %get3A_300 = arith.constant 384 : index
    %get3A_301 = tpu.vector_load %arg9[%get3A_300] {strides = array<i32>} : memref<768xi32, #tpu.memory_space<vmem>>, vector<16xi32>,
    %add3A_302 = arith.constant 8192 : i32
    %add3A_303 = vector.broadcast %add3A_302 : i32 to vector<16xi32>
    %add3A_304 = arith.addi %get3A_301, %add3A_303 : vector<16xi32>
    %gather3A_305 = tpu.vector_load_idx %arg8[%add3A_304] : memref<24576xi32, #tpu.memory_space<vmem>>[vector<16xi32>], vector<16xi32>,
    %swap3A_306 = arith.constant 0 : index
    %swap3A_307 = tpu.vector_load %arg14[%swap3A_306] {strides = array<i32>} : memref<128xi32, #tpu.memory_space<vmem>>, vector<16xi32>,
    tpu.vector_store %arg14[%swap3A_306], %gather3A_305 {strides = array<i32>} : memref<128xi32, #tpu.memory_space<vmem>>, vector<16xi32>,
    %get3A_308 = arith.constant 400 : index
    %get3A_309 = tpu.vector_load %arg9[%get3A_308] {strides = array<i32>} : memref<768xi32, #tpu.memory_space<vmem>>, vector<16xi32>,
    %add3A_310 = arith.constant 8192 : i32
    %add3A_311 = vector.broadcast %add3A_310 : i32 to vector<16xi32>
    %add3A_312 = arith.addi %get3A_309, %add3A_311 : vector<16xi32>
    %gather3A_313 = tpu.vector_load_idx %arg8[%add3A_312] : memref<24576xi32, #tpu.memory_space<vmem>>[vector<16xi32>], vector<16xi32>,
    %swap3A_314 = arith.constant 16 : index
    %swap3A_315 = tpu.vector_load %arg14[%swap3A_314] {strides = array<i32>} : memref<128xi32, #tpu.memory_space<vmem>>, vector<16xi32>,
    tpu.vector_store %arg14[%swap3A_314], %gather3A_313 {strides = array<i32>} : memref<128xi32, #tpu.memory_space<vmem>>, vector<16xi32>,
    %get3A_316 = arith.constant 416 : index
    %get3A_317 = tpu.vector_load %arg9[%get3A_316] {strides = array<i32>} : memref<768xi32, #tpu.memory_space<vmem>>, vector<16xi32>,
    %add3A_318 = arith.constant 8192 : i32
    %add3A_319 = vector.broadcast %add3A_318 : i32 to vector<16xi32>
    %add3A_320 = arith.addi %get3A_317, %add3A_319 : vector<16xi32>
    %gather3A_321 = tpu.vector_load_idx %arg8[%add3A_320] : memref<24576xi32, #tpu.memory_space<vmem>>[vector<16xi32>], vector<16xi32>,
    %swap3A_322 = arith.constant 32 : index
    %swap3A_323 = tpu.vector_load %arg14[%swap3A_322] {strides = array<i32>} : memref<128xi32, #tpu.memory_space<vmem>>, vector<16xi32>,
    tpu.vector_store %arg14[%swap3A_322], %gather3A_321 {strides = array<i32>} : memref<128xi32, #tpu.memory_space<vmem>>, vector<16xi32>,
    %get3A_324 = arith.constant 432 : index
    %get3A_325 = tpu.vector_load %arg9[%get3A_324] {strides = array<i32>} : memref<768xi32, #tpu.memory_space<vmem>>, vector<16xi32>,
    %add3A_326 = arith.constant 8192 : i32
    %add3A_327 = vector.broadcast %add3A_326 : i32 to vector<16xi32>
    %add3A_328 = arith.addi %get3A_325, %add3A_327 : vector<16xi32>
    %gather3A_329 = tpu.vector_load_idx %arg8[%add3A_328] : memref<24576xi32, #tpu.memory_space<vmem>>[vector<16xi32>], vector<16xi32>,
    %swap3A_330 = arith.constant 48 : index
    %swap3A_331 = tpu.vector_load %arg14[%swap3A_330] {strides = array<i32>} : memref<128xi32, #tpu.memory_space<vmem>>, vector<16xi32>,
    tpu.vector_store %arg14[%swap3A_330], %gather3A_329 {strides = array<i32>} : memref<128xi32, #tpu.memory_space<vmem>>, vector<16xi32>,
    %get3A_332 = arith.constant 448 : index
    %get3A_333 = tpu.vector_load %arg9[%get3A_332] {strides = array<i32>} : memref<768xi32, #tpu.memory_space<vmem>>, vector<16xi32>,
    %add3A_334 = arith.constant 8192 : i32
    %add3A_335 = vector.broadcast %add3A_334 : i32 to vector<16xi32>
    %add3A_336 = arith.addi %get3A_333, %add3A_335 : vector<16xi32>
    %gather3A_337 = tpu.vector_load_idx %arg8[%add3A_336] : memref<24576xi32, #tpu.memory_space<vmem>>[vector<16xi32>], vector<16xi32>,
    %swap3A_338 = arith.constant 64 : index
    %swap3A_339 = tpu.vector_load %arg14[%swap3A_338] {strides = array<i32>} : memref<128xi32, #tpu.memory_space<vmem>>, vector<16xi32>,
    tpu.vector_store %arg14[%swap3A_338], %gather3A_337 {strides = array<i32>} : memref<128xi32, #tpu.memory_space<vmem>>, vector<16xi32>,
    %get3A_340 = arith.constant 464 : index
    %get3A_341 = tpu.vector_load %arg9[%get3A_340] {strides = array<i32>} : memref<768xi32, #tpu.memory_space<vmem>>, vector<16xi32>,
    %add3A_342 = arith.constant 8192 : i32
    %add3A_343 = vector.broadcast %add3A_342 : i32 to vector<16xi32>
    %add3A_344 = arith.addi %get3A_341, %add3A_343 : vector<16xi32>
    %gather3A_345 = tpu.vector_load_idx %arg8[%add3A_344] : memref<24576xi32, #tpu.memory_space<vmem>>[vector<16xi32>], vector<16xi32>,
    %swap3A_346 = arith.constant 80 : index
    %swap3A_347 = tpu.vector_load %arg14[%swap3A_346] {strides = array<i32>} : memref<128xi32, #tpu.memory_space<vmem>>, vector<16xi32>,
    tpu.vector_store %arg14[%swap3A_346], %gather3A_345 {strides = array<i32>} : memref<128xi32, #tpu.memory_space<vmem>>, vector<16xi32>,
    %get3A_348 = arith.constant 480 : index
    %get3A_349 = tpu.vector_load %arg9[%get3A_348] {strides = array<i32>} : memref<768xi32, #tpu.memory_space<vmem>>, vector<16xi32>,
    %add3A_350 = arith.constant 8192 : i32
    %add3A_351 = vector.broadcast %add3A_350 : i32 to vector<16xi32>
    %add3A_352 = arith.addi %get3A_349, %add3A_351 : vector<16xi32>
    %gather3A_353 = tpu.vector_load_idx %arg8[%add3A_352] : memref<24576xi32, #tpu.memory_space<vmem>>[vector<16xi32>], vector<16xi32>,
    %swap3A_354 = arith.constant 96 : index
    %swap3A_355 = tpu.vector_load %arg14[%swap3A_354] {strides = array<i32>} : memref<128xi32, #tpu.memory_space<vmem>>, vector<16xi32>,
    tpu.vector_store %arg14[%swap3A_354], %gather3A_353 {strides = array<i32>} : memref<128xi32, #tpu.memory_space<vmem>>, vector<16xi32>,
    %get3A_356 = arith.constant 496 : index
    %get3A_357 = tpu.vector_load %arg9[%get3A_356] {strides = array<i32>} : memref<768xi32, #tpu.memory_space<vmem>>, vector<16xi32>,
    %add3A_358 = arith.constant 8192 : i32
    %add3A_359 = vector.broadcast %add3A_358 : i32 to vector<16xi32>
    %add3A_360 = arith.addi %get3A_357, %add3A_359 : vector<16xi32>
    %gather3A_361 = tpu.vector_load_idx %arg8[%add3A_360] : memref<24576xi32, #tpu.memory_space<vmem>>[vector<16xi32>], vector<16xi32>,
    %swap3A_362 = arith.constant 112 : index
    %swap3A_363 = tpu.vector_load %arg14[%swap3A_362] {strides = array<i32>} : memref<128xi32, #tpu.memory_space<vmem>>, vector<16xi32>,
    tpu.vector_store %arg14[%swap3A_362], %gather3A_361 {strides = array<i32>} : memref<128xi32, #tpu.memory_space<vmem>>, vector<16xi32>,
    %get3A_364 = arith.constant 32 : index
    %get3A_365 = tpu.vector_load %arg10[%get3A_364] {strides = array<i32>} : memref<96xi32, #tpu.memory_space<vmem>>, vector<16xi32>,
    %add3A_366 = arith.constant 8192 : i32
    %add3A_367 = vector.broadcast %add3A_366 : i32 to vector<16xi32>
    %add3A_368 = arith.addi %get3A_365, %add3A_367 : vector<16xi32>
    %gather3A_369 = tpu.vector_load_idx %arg8[%add3A_368] : memref<24576xi32, #tpu.memory_space<vmem>>[vector<16xi32>], vector<16xi32>,
    %swap3A_370 = arith.constant 0 : index
    %swap3A_371 = tpu.vector_load %arg18[%swap3A_370] {strides = array<i32>} : memref<32xi32, #tpu.memory_space<vmem>>, vector<16xi32>,
    tpu.vector_store %arg18[%swap3A_370], %gather3A_369 {strides = array<i32>} : memref<32xi32, #tpu.memory_space<vmem>>, vector<16xi32>,
    %get3A_372 = arith.constant 48 : index
    %get3A_373 = tpu.vector_load %arg10[%get3A_372] {strides = array<i32>} : memref<96xi32, #tpu.memory_space<vmem>>, vector<16xi32>,
    %add3A_374 = arith.constant 8192 : i32
    %add3A_375 = vector.broadcast %add3A_374 : i32 to vector<16xi32>
    %add3A_376 = arith.addi %get3A_373, %add3A_375 : vector<16xi32>
    %gather3A_377 = tpu.vector_load_idx %arg8[%add3A_376] : memref<24576xi32, #tpu.memory_space<vmem>>[vector<16xi32>], vector<16xi32>,
    %swap3A_378 = arith.constant 16 : index
    %swap3A_379 = tpu.vector_load %arg18[%swap3A_378] {strides = array<i32>} : memref<32xi32, #tpu.memory_space<vmem>>, vector<16xi32>,
    tpu.vector_store %arg18[%swap3A_378], %gather3A_377 {strides = array<i32>} : memref<32xi32, #tpu.memory_space<vmem>>, vector<16xi32>,
    %get3A_380 = arith.constant 512 : index
    %get3A_381 = tpu.vector_load %arg9[%get3A_380] {strides = array<i32>} : memref<768xi32, #tpu.memory_space<vmem>>, vector<16xi32>,
    %add3A_382 = arith.constant 16384 : i32
    %add3A_383 = vector.broadcast %add3A_382 : i32 to vector<16xi32>
    %add3A_384 = arith.addi %get3A_381, %add3A_383 : vector<16xi32>
    %gather3A_385 = tpu.vector_load_idx %arg8[%add3A_384] : memref<24576xi32, #tpu.memory_space<vmem>>[vector<16xi32>], vector<16xi32>,
    %swap3A_386 = arith.constant 0 : index
    %swap3A_387 = tpu.vector_load %arg15[%swap3A_386] {strides = array<i32>} : memref<128xi32, #tpu.memory_space<vmem>>, vector<16xi32>,
    tpu.vector_store %arg15[%swap3A_386], %gather3A_385 {strides = array<i32>} : memref<128xi32, #tpu.memory_space<vmem>>, vector<16xi32>,
    %get3A_388 = arith.constant 528 : index
    %get3A_389 = tpu.vector_load %arg9[%get3A_388] {strides = array<i32>} : memref<768xi32, #tpu.memory_space<vmem>>, vector<16xi32>,
    %add3A_390 = arith.constant 16384 : i32
    %add3A_391 = vector.broadcast %add3A_390 : i32 to vector<16xi32>
    %add3A_392 = arith.addi %get3A_389, %add3A_391 : vector<16xi32>
    %gather3A_393 = tpu.vector_load_idx %arg8[%add3A_392] : memref<24576xi32, #tpu.memory_space<vmem>>[vector<16xi32>], vector<16xi32>,
    %swap3A_394 = arith.constant 16 : index
    %swap3A_395 = tpu.vector_load %arg15[%swap3A_394] {strides = array<i32>} : memref<128xi32, #tpu.memory_space<vmem>>, vector<16xi32>,
    tpu.vector_store %arg15[%swap3A_394], %gather3A_393 {strides = array<i32>} : memref<128xi32, #tpu.memory_space<vmem>>, vector<16xi32>,
    %get3A_396 = arith.constant 544 : index
    %get3A_397 = tpu.vector_load %arg9[%get3A_396] {strides = array<i32>} : memref<768xi32, #tpu.memory_space<vmem>>, vector<16xi32>,
    %add3A_398 = arith.constant 16384 : i32
    %add3A_399 = vector.broadcast %add3A_398 : i32 to vector<16xi32>
    %add3A_400 = arith.addi %get3A_397, %add3A_399 : vector<16xi32>
    %gather3A_401 = tpu.vector_load_idx %arg8[%add3A_400] : memref<24576xi32, #tpu.memory_space<vmem>>[vector<16xi32>], vector<16xi32>,
    %swap3A_402 = arith.constant 32 : index
    %swap3A_403 = tpu.vector_load %arg15[%swap3A_402] {strides = array<i32>} : memref<128xi32, #tpu.memory_space<vmem>>, vector<16xi32>,
    tpu.vector_store %arg15[%swap3A_402], %gather3A_401 {strides = array<i32>} : memref<128xi32, #tpu.memory_space<vmem>>, vector<16xi32>,
    %get3A_404 = arith.constant 560 : index
    %get3A_405 = tpu.vector_load %arg9[%get3A_404] {strides = array<i32>} : memref<768xi32, #tpu.memory_space<vmem>>, vector<16xi32>,
    %add3A_406 = arith.constant 16384 : i32
    %add3A_407 = vector.broadcast %add3A_406 : i32 to vector<16xi32>
    %add3A_408 = arith.addi %get3A_405, %add3A_407 : vector<16xi32>
    %gather3A_409 = tpu.vector_load_idx %arg8[%add3A_408] : memref<24576xi32, #tpu.memory_space<vmem>>[vector<16xi32>], vector<16xi32>,
    %swap3A_410 = arith.constant 48 : index
    %swap3A_411 = tpu.vector_load %arg15[%swap3A_410] {strides = array<i32>} : memref<128xi32, #tpu.memory_space<vmem>>, vector<16xi32>,
    tpu.vector_store %arg15[%swap3A_410], %gather3A_409 {strides = array<i32>} : memref<128xi32, #tpu.memory_space<vmem>>, vector<16xi32>,
    %get3A_412 = arith.constant 576 : index
    %get3A_413 = tpu.vector_load %arg9[%get3A_412] {strides = array<i32>} : memref<768xi32, #tpu.memory_space<vmem>>, vector<16xi32>,
    %add3A_414 = arith.constant 16384 : i32
    %add3A_415 = vector.broadcast %add3A_414 : i32 to vector<16xi32>
    %add3A_416 = arith.addi %get3A_413, %add3A_415 : vector<16xi32>
    %gather3A_417 = tpu.vector_load_idx %arg8[%add3A_416] : memref<24576xi32, #tpu.memory_space<vmem>>[vector<16xi32>], vector<16xi32>,
    %swap3A_418 = arith.constant 64 : index
    %swap3A_419 = tpu.vector_load %arg15[%swap3A_418] {strides = array<i32>} : memref<128xi32, #tpu.memory_space<vmem>>, vector<16xi32>,
    tpu.vector_store %arg15[%swap3A_418], %gather3A_417 {strides = array<i32>} : memref<128xi32, #tpu.memory_space<vmem>>, vector<16xi32>,
    %get3A_420 = arith.constant 592 : index
    %get3A_421 = tpu.vector_load %arg9[%get3A_420] {strides = array<i32>} : memref<768xi32, #tpu.memory_space<vmem>>, vector<16xi32>,
    %add3A_422 = arith.constant 16384 : i32
    %add3A_423 = vector.broadcast %add3A_422 : i32 to vector<16xi32>
    %add3A_424 = arith.addi %get3A_421, %add3A_423 : vector<16xi32>
    %gather3A_425 = tpu.vector_load_idx %arg8[%add3A_424] : memref<24576xi32, #tpu.memory_space<vmem>>[vector<16xi32>], vector<16xi32>,
    %swap3A_426 = arith.constant 80 : index
    %swap3A_427 = tpu.vector_load %arg15[%swap3A_426] {strides = array<i32>} : memref<128xi32, #tpu.memory_space<vmem>>, vector<16xi32>,
    tpu.vector_store %arg15[%swap3A_426], %gather3A_425 {strides = array<i32>} : memref<128xi32, #tpu.memory_space<vmem>>, vector<16xi32>,
    %get3A_428 = arith.constant 608 : index
    %get3A_429 = tpu.vector_load %arg9[%get3A_428] {strides = array<i32>} : memref<768xi32, #tpu.memory_space<vmem>>, vector<16xi32>,
    %add3A_430 = arith.constant 16384 : i32
    %add3A_431 = vector.broadcast %add3A_430 : i32 to vector<16xi32>
    %add3A_432 = arith.addi %get3A_429, %add3A_431 : vector<16xi32>
    %gather3A_433 = tpu.vector_load_idx %arg8[%add3A_432] : memref<24576xi32, #tpu.memory_space<vmem>>[vector<16xi32>], vector<16xi32>,
    %swap3A_434 = arith.constant 96 : index
    %swap3A_435 = tpu.vector_load %arg15[%swap3A_434] {strides = array<i32>} : memref<128xi32, #tpu.memory_space<vmem>>, vector<16xi32>,
    tpu.vector_store %arg15[%swap3A_434], %gather3A_433 {strides = array<i32>} : memref<128xi32, #tpu.memory_space<vmem>>, vector<16xi32>,
    %get3A_436 = arith.constant 624 : index
    %get3A_437 = tpu.vector_load %arg9[%get3A_436] {strides = array<i32>} : memref<768xi32, #tpu.memory_space<vmem>>, vector<16xi32>,
    %add3A_438 = arith.constant 16384 : i32
    %add3A_439 = vector.broadcast %add3A_438 : i32 to vector<16xi32>
    %add3A_440 = arith.addi %get3A_437, %add3A_439 : vector<16xi32>
    %gather3A_441 = tpu.vector_load_idx %arg8[%add3A_440] : memref<24576xi32, #tpu.memory_space<vmem>>[vector<16xi32>], vector<16xi32>,
    %swap3A_442 = arith.constant 112 : index
    %swap3A_443 = tpu.vector_load %arg15[%swap3A_442] {strides = array<i32>} : memref<128xi32, #tpu.memory_space<vmem>>, vector<16xi32>,
    tpu.vector_store %arg15[%swap3A_442], %gather3A_441 {strides = array<i32>} : memref<128xi32, #tpu.memory_space<vmem>>, vector<16xi32>,
    %get3A_444 = arith.constant 640 : index
    %get3A_445 = tpu.vector_load %arg9[%get3A_444] {strides = array<i32>} : memref<768xi32, #tpu.memory_space<vmem>>, vector<16xi32>,
    %add3A_446 = arith.constant 16384 : i32
    %add3A_447 = vector.broadcast %add3A_446 : i32 to vector<16xi32>
    %add3A_448 = arith.addi %get3A_445, %add3A_447 : vector<16xi32>
    %gather3A_449 = tpu.vector_load_idx %arg8[%add3A_448] : memref<24576xi32, #tpu.memory_space<vmem>>[vector<16xi32>], vector<16xi32>,
    %swap3A_450 = arith.constant 0 : index
    %swap3A_451 = tpu.vector_load %arg16[%swap3A_450] {strides = array<i32>} : memref<128xi32, #tpu.memory_space<vmem>>, vector<16xi32>,
    tpu.vector_store %arg16[%swap3A_450], %gather3A_449 {strides = array<i32>} : memref<128xi32, #tpu.memory_space<vmem>>, vector<16xi32>,
    %get3A_452 = arith.constant 656 : index
    %get3A_453 = tpu.vector_load %arg9[%get3A_452] {strides = array<i32>} : memref<768xi32, #tpu.memory_space<vmem>>, vector<16xi32>,
    %add3A_454 = arith.constant 16384 : i32
    %add3A_455 = vector.broadcast %add3A_454 : i32 to vector<16xi32>
    %add3A_456 = arith.addi %get3A_453, %add3A_455 : vector<16xi32>
    %gather3A_457 = tpu.vector_load_idx %arg8[%add3A_456] : memref<24576xi32, #tpu.memory_space<vmem>>[vector<16xi32>], vector<16xi32>,
    %swap3A_458 = arith.constant 16 : index
    %swap3A_459 = tpu.vector_load %arg16[%swap3A_458] {strides = array<i32>} : memref<128xi32, #tpu.memory_space<vmem>>, vector<16xi32>,
    tpu.vector_store %arg16[%swap3A_458], %gather3A_457 {strides = array<i32>} : memref<128xi32, #tpu.memory_space<vmem>>, vector<16xi32>,
    %get3A_460 = arith.constant 672 : index
    %get3A_461 = tpu.vector_load %arg9[%get3A_460] {strides = array<i32>} : memref<768xi32, #tpu.memory_space<vmem>>, vector<16xi32>,
    %add3A_462 = arith.constant 16384 : i32
    %add3A_463 = vector.broadcast %add3A_462 : i32 to vector<16xi32>
    %add3A_464 = arith.addi %get3A_461, %add3A_463 : vector<16xi32>
    %gather3A_465 = tpu.vector_load_idx %arg8[%add3A_464] : memref<24576xi32, #tpu.memory_space<vmem>>[vector<16xi32>], vector<16xi32>,
    %swap3A_466 = arith.constant 32 : index
    %swap3A_467 = tpu.vector_load %arg16[%swap3A_466] {strides = array<i32>} : memref<128xi32, #tpu.memory_space<vmem>>, vector<16xi32>,
    tpu.vector_store %arg16[%swap3A_466], %gather3A_465 {strides = array<i32>} : memref<128xi32, #tpu.memory_space<vmem>>, vector<16xi32>,
    %get3A_468 = arith.constant 688 : index
    %get3A_469 = tpu.vector_load %arg9[%get3A_468] {strides = array<i32>} : memref<768xi32, #tpu.memory_space<vmem>>, vector<16xi32>,
    %add3A_470 = arith.constant 16384 : i32
    %add3A_471 = vector.broadcast %add3A_470 : i32 to vector<16xi32>
    %add3A_472 = arith.addi %get3A_469, %add3A_471 : vector<16xi32>
    %gather3A_473 = tpu.vector_load_idx %arg8[%add3A_472] : memref<24576xi32, #tpu.memory_space<vmem>>[vector<16xi32>], vector<16xi32>,
    %swap3A_474 = arith.constant 48 : index
    %swap3A_475 = tpu.vector_load %arg16[%swap3A_474] {strides = array<i32>} : memref<128xi32, #tpu.memory_space<vmem>>, vector<16xi32>,
    tpu.vector_store %arg16[%swap3A_474], %gather3A_473 {strides = array<i32>} : memref<128xi32, #tpu.memory_space<vmem>>, vector<16xi32>,
    %get3A_476 = arith.constant 704 : index
    %get3A_477 = tpu.vector_load %arg9[%get3A_476] {strides = array<i32>} : memref<768xi32, #tpu.memory_space<vmem>>, vector<16xi32>,
    %add3A_478 = arith.constant 16384 : i32
    %add3A_479 = vector.broadcast %add3A_478 : i32 to vector<16xi32>
    %add3A_480 = arith.addi %get3A_477, %add3A_479 : vector<16xi32>
    %gather3A_481 = tpu.vector_load_idx %arg8[%add3A_480] : memref<24576xi32, #tpu.memory_space<vmem>>[vector<16xi32>], vector<16xi32>,
    %swap3A_482 = arith.constant 64 : index
    %swap3A_483 = tpu.vector_load %arg16[%swap3A_482] {strides = array<i32>} : memref<128xi32, #tpu.memory_space<vmem>>, vector<16xi32>,
    tpu.vector_store %arg16[%swap3A_482], %gather3A_481 {strides = array<i32>} : memref<128xi32, #tpu.memory_space<vmem>>, vector<16xi32>,
    %get3A_484 = arith.constant 720 : index
    %get3A_485 = tpu.vector_load %arg9[%get3A_484] {strides = array<i32>} : memref<768xi32, #tpu.memory_space<vmem>>, vector<16xi32>,
    %add3A_486 = arith.constant 16384 : i32
    %add3A_487 = vector.broadcast %add3A_486 : i32 to vector<16xi32>
    %add3A_488 = arith.addi %get3A_485, %add3A_487 : vector<16xi32>
    %gather3A_489 = tpu.vector_load_idx %arg8[%add3A_488] : memref<24576xi32, #tpu.memory_space<vmem>>[vector<16xi32>], vector<16xi32>,
    %swap3A_490 = arith.constant 80 : index
    %swap3A_491 = tpu.vector_load %arg16[%swap3A_490] {strides = array<i32>} : memref<128xi32, #tpu.memory_space<vmem>>, vector<16xi32>,
    tpu.vector_store %arg16[%swap3A_490], %gather3A_489 {strides = array<i32>} : memref<128xi32, #tpu.memory_space<vmem>>, vector<16xi32>,
    %get3A_492 = arith.constant 736 : index
    %get3A_493 = tpu.vector_load %arg9[%get3A_492] {strides = array<i32>} : memref<768xi32, #tpu.memory_space<vmem>>, vector<16xi32>,
    %add3A_494 = arith.constant 16384 : i32
    %add3A_495 = vector.broadcast %add3A_494 : i32 to vector<16xi32>
    %add3A_496 = arith.addi %get3A_493, %add3A_495 : vector<16xi32>
    %gather3A_497 = tpu.vector_load_idx %arg8[%add3A_496] : memref<24576xi32, #tpu.memory_space<vmem>>[vector<16xi32>], vector<16xi32>,
    %swap3A_498 = arith.constant 96 : index
    %swap3A_499 = tpu.vector_load %arg16[%swap3A_498] {strides = array<i32>} : memref<128xi32, #tpu.memory_space<vmem>>, vector<16xi32>,
    tpu.vector_store %arg16[%swap3A_498], %gather3A_497 {strides = array<i32>} : memref<128xi32, #tpu.memory_space<vmem>>, vector<16xi32>,
    %get3A_500 = arith.constant 752 : index
    %get3A_501 = tpu.vector_load %arg9[%get3A_500] {strides = array<i32>} : memref<768xi32, #tpu.memory_space<vmem>>, vector<16xi32>,
    %add3A_502 = arith.constant 16384 : i32
    %add3A_503 = vector.broadcast %add3A_502 : i32 to vector<16xi32>
    %add3A_504 = arith.addi %get3A_501, %add3A_503 : vector<16xi32>
    %gather3A_505 = tpu.vector_load_idx %arg8[%add3A_504] : memref<24576xi32, #tpu.memory_space<vmem>>[vector<16xi32>], vector<16xi32>,
    %swap3A_506 = arith.constant 112 : index
    %swap3A_507 = tpu.vector_load %arg16[%swap3A_506] {strides = array<i32>} : memref<128xi32, #tpu.memory_space<vmem>>, vector<16xi32>,
    tpu.vector_store %arg16[%swap3A_506], %gather3A_505 {strides = array<i32>} : memref<128xi32, #tpu.memory_space<vmem>>, vector<16xi32>,
    %get3A_508 = arith.constant 64 : index
    %get3A_509 = tpu.vector_load %arg10[%get3A_508] {strides = array<i32>} : memref<96xi32, #tpu.memory_space<vmem>>, vector<16xi32>,
    %add3A_510 = arith.constant 16384 : i32
    %add3A_511 = vector.broadcast %add3A_510 : i32 to vector<16xi32>
    %add3A_512 = arith.addi %get3A_509, %add3A_511 : vector<16xi32>
    %gather3A_513 = tpu.vector_load_idx %arg8[%add3A_512] : memref<24576xi32, #tpu.memory_space<vmem>>[vector<16xi32>], vector<16xi32>,
    %swap3A_514 = arith.constant 0 : index
    %swap3A_515 = tpu.vector_load %arg19[%swap3A_514] {strides = array<i32>} : memref<32xi32, #tpu.memory_space<vmem>>, vector<16xi32>,
    tpu.vector_store %arg19[%swap3A_514], %gather3A_513 {strides = array<i32>} : memref<32xi32, #tpu.memory_space<vmem>>, vector<16xi32>,
    %get3A_516 = arith.constant 80 : index
    %get3A_517 = tpu.vector_load %arg10[%get3A_516] {strides = array<i32>} : memref<96xi32, #tpu.memory_space<vmem>>, vector<16xi32>,
    %add3A_518 = arith.constant 16384 : i32
    %add3A_519 = vector.broadcast %add3A_518 : i32 to vector<16xi32>
    %add3A_520 = arith.addi %get3A_517, %add3A_519 : vector<16xi32>
    %gather3A_521 = tpu.vector_load_idx %arg8[%add3A_520] : memref<24576xi32, #tpu.memory_space<vmem>>[vector<16xi32>], vector<16xi32>,
    %swap3A_522 = arith.constant 16 : index
    %swap3A_523 = tpu.vector_load %arg19[%swap3A_522] {strides = array<i32>} : memref<32xi32, #tpu.memory_space<vmem>>, vector<16xi32>,
    tpu.vector_store %arg19[%swap3A_522], %gather3A_521 {strides = array<i32>} : memref<32xi32, #tpu.memory_space<vmem>>, vector<16xi32>,
    %dma_start3A_524 = arith.constant 0 : i32
    %dma_start3A_525 = arith.constant 0 : i32
    %dma_start3A_526 = tpu.memref_slice %arg2[%dma_start3A_524, %dma_start3A_525] : memref<50000x256xf32, #tpu.memory_space<hbm>> -> memref<50000x256xf32, #tpu.memory_space<hbm>>
    tpu.enqueue_indirect_dma source(%dma_start3A_526 : memref<50000x256xf32, #tpu.memory_space<hbm>>) target(%arg20 : memref<128x256xf32, #tpu.memory_space<vmem>>) offsets(%arg11 : memref<128xi32, #tpu.memory_space<vmem>>) semaphore(%arg25 : memref<!tpu.dma_semaphore, #tpu.memory_space<semaphore_mem>>)
    %dma_start3A_527 = arith.constant 0 : i32
    %dma_start3A_528 = arith.constant 0 : i32
    %dma_start3A_529 = tpu.memref_slice %arg2[%dma_start3A_527, %dma_start3A_528] : memref<50000x256xf32, #tpu.memory_space<hbm>> -> memref<50000x256xf32, #tpu.memory_space<hbm>>
    tpu.enqueue_indirect_dma source(%dma_start3A_529 : memref<50000x256xf32, #tpu.memory_space<hbm>>) target(%arg21 : memref<128x256xf32, #tpu.memory_space<vmem>>) offsets(%arg12 : memref<128xi32, #tpu.memory_space<vmem>>) semaphore(%arg26 : memref<!tpu.dma_semaphore, #tpu.memory_space<semaphore_mem>>)
    %dma_wait3A_530 = arith.constant 0 : i32
    %dma_wait3A_531 = arith.constant 0 : i32
    %dma_wait3A_532 = tpu.memref_slice %arg2[%dma_wait3A_530, %dma_wait3A_531] : memref<50000x256xf32, #tpu.memory_space<hbm>> -> memref<50000x256xf32, #tpu.memory_space<hbm>>
    tpu.wait_indirect_dma semaphore(%arg25 : memref<!tpu.dma_semaphore, #tpu.memory_space<semaphore_mem>>) src(%dma_wait3A_532 : memref<50000x256xf32, #tpu.memory_space<hbm>>) dst(%arg20 : memref<128x256xf32, #tpu.memory_space<vmem>>)
    %mul3A_533 = arith.constant 256 : i32
    %mul3A_534 = arith.muli %add3A, %mul3A_533 : i32
    %add3A_535 = arith.constant 0 : i32
    %add3A_536 = arith.addi %add3A_535, %mul3A_534 : i32
    %add3A_537 = arith.constant 0 : i32
    %add3A_538 = arith.addi %add3A_536, %add3A_537 : i32
    %dma_start3A_539 = arith.constant 0 : i32
    %dma_start3A_540 = tpu.memref_slice %arg6[%add3A_538, %dma_start3A_539] : memref<24576x256xf32, #tpu.memory_space<hbm>> -> memref<128x256xf32, #tpu.memory_space<hbm>>
    %dma_start3A_541 = arith.constant 0 : i32
    %dma_start3A_542 = tpu.memref_slice %arg6[%add3A_538, %dma_start3A_541] : memref<24576x256xf32, #tpu.memory_space<hbm>> -> memref<128x256xf32, #tpu.memory_space<hbm>>
    tpu.enqueue_dma source(%arg20 : memref<128x256xf32, #tpu.memory_space<vmem>>) target(%dma_start3A_542 : memref<128x256xf32, #tpu.memory_space<hbm>>) target_semaphore(%arg27 : memref<!tpu.dma_semaphore, #tpu.memory_space<semaphore_mem>>)
    %dma_wait3A_543 = arith.constant 0 : i32
    %dma_wait3A_544 = tpu.memref_slice %arg6[%add3A_538, %dma_wait3A_543] : memref<24576x256xf32, #tpu.memory_space<hbm>> -> memref<128x256xf32, #tpu.memory_space<hbm>>
    %dma_wait3A_545 = arith.constant 0 : i32
    %dma_wait3A_546 = tpu.memref_slice %arg6[%add3A_538, %dma_wait3A_545] : memref<24576x256xf32, #tpu.memory_space<hbm>> -> memref<128x256xf32, #tpu.memory_space<hbm>>
    tpu.wait_dma2 semaphore(%arg27 : memref<!tpu.dma_semaphore, #tpu.memory_space<semaphore_mem>>) src(%arg20 : memref<128x256xf32, #tpu.memory_space<vmem>>) dst(%dma_wait3A_546 : memref<128x256xf32, #tpu.memory_space<hbm>>)
    %dma_start3A_547 = arith.constant 0 : i32
    %dma_start3A_548 = arith.constant 0 : i32
    %dma_start3A_549 = tpu.memref_slice %arg2[%dma_start3A_547, %dma_start3A_548] : memref<50000x256xf32, #tpu.memory_space<hbm>> -> memref<50000x256xf32, #tpu.memory_space<hbm>>
    tpu.enqueue_indirect_dma source(%dma_start3A_549 : memref<50000x256xf32, #tpu.memory_space<hbm>>) target(%arg20 : memref<128x256xf32, #tpu.memory_space<vmem>>) offsets(%arg13 : memref<128xi32, #tpu.memory_space<vmem>>) semaphore(%arg25 : memref<!tpu.dma_semaphore, #tpu.memory_space<semaphore_mem>>)
    %dma_wait3A_550 = arith.constant 0 : i32
    %dma_wait3A_551 = arith.constant 0 : i32
    %dma_wait3A_552 = tpu.memref_slice %arg2[%dma_wait3A_550, %dma_wait3A_551] : memref<50000x256xf32, #tpu.memory_space<hbm>> -> memref<50000x256xf32, #tpu.memory_space<hbm>>
    tpu.wait_indirect_dma semaphore(%arg26 : memref<!tpu.dma_semaphore, #tpu.memory_space<semaphore_mem>>) src(%dma_wait3A_552 : memref<50000x256xf32, #tpu.memory_space<hbm>>) dst(%arg21 : memref<128x256xf32, #tpu.memory_space<vmem>>)
    %mul3A_553 = arith.constant 256 : i32
    %mul3A_554 = arith.muli %add3A, %mul3A_553 : i32
    %add3A_555 = arith.constant 0 : i32
    %add3A_556 = arith.addi %add3A_555, %mul3A_554 : i32
    %add3A_557 = arith.constant 128 : i32
    %add3A_558 = arith.addi %add3A_556, %add3A_557 : i32
    %dma_start3A_559 = arith.constant 0 : i32
    %dma_start3A_560 = tpu.memref_slice %arg6[%add3A_558, %dma_start3A_559] : memref<24576x256xf32, #tpu.memory_space<hbm>> -> memref<128x256xf32, #tpu.memory_space<hbm>>
    %dma_start3A_561 = arith.constant 0 : i32
    %dma_start3A_562 = tpu.memref_slice %arg6[%add3A_558, %dma_start3A_561] : memref<24576x256xf32, #tpu.memory_space<hbm>> -> memref<128x256xf32, #tpu.memory_space<hbm>>
    tpu.enqueue_dma source(%arg21 : memref<128x256xf32, #tpu.memory_space<vmem>>) target(%dma_start3A_562 : memref<128x256xf32, #tpu.memory_space<hbm>>) target_semaphore(%arg28 : memref<!tpu.dma_semaphore, #tpu.memory_space<semaphore_mem>>)
    %dma_wait3A_563 = arith.constant 0 : i32
    %dma_wait3A_564 = tpu.memref_slice %arg6[%add3A_558, %dma_wait3A_563] : memref<24576x256xf32, #tpu.memory_space<hbm>> -> memref<128x256xf32, #tpu.memory_space<hbm>>
    %dma_wait3A_565 = arith.constant 0 : i32
    %dma_wait3A_566 = tpu.memref_slice %arg6[%add3A_558, %dma_wait3A_565] : memref<24576x256xf32, #tpu.memory_space<hbm>> -> memref<128x256xf32, #tpu.memory_space<hbm>>
    tpu.wait_dma2 semaphore(%arg28 : memref<!tpu.dma_semaphore, #tpu.memory_space<semaphore_mem>>) src(%arg21 : memref<128x256xf32, #tpu.memory_space<vmem>>) dst(%dma_wait3A_566 : memref<128x256xf32, #tpu.memory_space<hbm>>)
    %dma_start3A_567 = arith.constant 0 : i32
    %dma_start3A_568 = arith.constant 0 : i32
    %dma_start3A_569 = tpu.memref_slice %arg2[%dma_start3A_567, %dma_start3A_568] : memref<50000x256xf32, #tpu.memory_space<hbm>> -> memref<50000x256xf32, #tpu.memory_space<hbm>>
    tpu.enqueue_indirect_dma source(%dma_start3A_569 : memref<50000x256xf32, #tpu.memory_space<hbm>>) target(%arg21 : memref<128x256xf32, #tpu.memory_space<vmem>>) offsets(%arg14 : memref<128xi32, #tpu.memory_space<vmem>>) semaphore(%arg26 : memref<!tpu.dma_semaphore, #tpu.memory_space<semaphore_mem>>)
    %dma_wait3A_570 = arith.constant 0 : i32
    %dma_wait3A_571 = arith.constant 0 : i32
    %dma_wait3A_572 = tpu.memref_slice %arg2[%dma_wait3A_570, %dma_wait3A_571] : memref<50000x256xf32, #tpu.memory_space<hbm>> -> memref<50000x256xf32, #tpu.memory_space<hbm>>
    tpu.wait_indirect_dma semaphore(%arg25 : memref<!tpu.dma_semaphore, #tpu.memory_space<semaphore_mem>>) src(%dma_wait3A_572 : memref<50000x256xf32, #tpu.memory_space<hbm>>) dst(%arg20 : memref<128x256xf32, #tpu.memory_space<vmem>>)
    %mul3A_573 = arith.constant 256 : i32
    %mul3A_574 = arith.muli %add3A, %mul3A_573 : i32
    %add3A_575 = arith.constant 8192 : i32
    %add3A_576 = arith.addi %add3A_575, %mul3A_574 : i32
    %add3A_577 = arith.constant 0 : i32
    %add3A_578 = arith.addi %add3A_576, %add3A_577 : i32
    %dma_start3A_579 = arith.constant 0 : i32
    %dma_start3A_580 = tpu.memref_slice %arg6[%add3A_578, %dma_start3A_579] : memref<24576x256xf32, #tpu.memory_space<hbm>> -> memref<128x256xf32, #tpu.memory_space<hbm>>
    %dma_start3A_581 = arith.constant 0 : i32
    %dma_start3A_582 = tpu.memref_slice %arg6[%add3A_578, %dma_start3A_581] : memref<24576x256xf32, #tpu.memory_space<hbm>> -> memref<128x256xf32, #tpu.memory_space<hbm>>
    tpu.enqueue_dma source(%arg20 : memref<128x256xf32, #tpu.memory_space<vmem>>) target(%dma_start3A_582 : memref<128x256xf32, #tpu.memory_space<hbm>>) target_semaphore(%arg27 : memref<!tpu.dma_semaphore, #tpu.memory_space<semaphore_mem>>)
    %dma_wait3A_583 = arith.constant 0 : i32
    %dma_wait3A_584 = tpu.memref_slice %arg6[%add3A_578, %dma_wait3A_583] : memref<24576x256xf32, #tpu.memory_space<hbm>> -> memref<128x256xf32, #tpu.memory_space<hbm>>
    %dma_wait3A_585 = arith.constant 0 : i32
    %dma_wait3A_586 = tpu.memref_slice %arg6[%add3A_578, %dma_wait3A_585] : memref<24576x256xf32, #tpu.memory_space<hbm>> -> memref<128x256xf32, #tpu.memory_space<hbm>>
    tpu.wait_dma2 semaphore(%arg27 : memref<!tpu.dma_semaphore, #tpu.memory_space<semaphore_mem>>) src(%arg20 : memref<128x256xf32, #tpu.memory_space<vmem>>) dst(%dma_wait3A_586 : memref<128x256xf32, #tpu.memory_space<hbm>>)
    %dma_start3A_587 = arith.constant 0 : i32
    %dma_start3A_588 = arith.constant 0 : i32
    %dma_start3A_589 = tpu.memref_slice %arg2[%dma_start3A_587, %dma_start3A_588] : memref<50000x256xf32, #tpu.memory_space<hbm>> -> memref<50000x256xf32, #tpu.memory_space<hbm>>
    tpu.enqueue_indirect_dma source(%dma_start3A_589 : memref<50000x256xf32, #tpu.memory_space<hbm>>) target(%arg20 : memref<128x256xf32, #tpu.memory_space<vmem>>) offsets(%arg15 : memref<128xi32, #tpu.memory_space<vmem>>) semaphore(%arg25 : memref<!tpu.dma_semaphore, #tpu.memory_space<semaphore_mem>>)
    %dma_wait3A_590 = arith.constant 0 : i32
    %dma_wait3A_591 = arith.constant 0 : i32
    %dma_wait3A_592 = tpu.memref_slice %arg2[%dma_wait3A_590, %dma_wait3A_591] : memref<50000x256xf32, #tpu.memory_space<hbm>> -> memref<50000x256xf32, #tpu.memory_space<hbm>>
    tpu.wait_indirect_dma semaphore(%arg26 : memref<!tpu.dma_semaphore, #tpu.memory_space<semaphore_mem>>) src(%dma_wait3A_592 : memref<50000x256xf32, #tpu.memory_space<hbm>>) dst(%arg21 : memref<128x256xf32, #tpu.memory_space<vmem>>)
    %mul3A_593 = arith.constant 256 : i32
    %mul3A_594 = arith.muli %add3A, %mul3A_593 : i32
    %add3A_595 = arith.constant 8192 : i32
    %add3A_596 = arith.addi %add3A_595, %mul3A_594 : i32
    %add3A_597 = arith.constant 128 : i32
    %add3A_598 = arith.addi %add3A_596, %add3A_597 : i32
    %dma_start3A_599 = arith.constant 0 : i32
    %dma_start3A_600 = tpu.memref_slice %arg6[%add3A_598, %dma_start3A_599] : memref<24576x256xf32, #tpu.memory_space<hbm>> -> memref<128x256xf32, #tpu.memory_space<hbm>>
    %dma_start3A_601 = arith.constant 0 : i32
    %dma_start3A_602 = tpu.memref_slice %arg6[%add3A_598, %dma_start3A_601] : memref<24576x256xf32, #tpu.memory_space<hbm>> -> memref<128x256xf32, #tpu.memory_space<hbm>>
    tpu.enqueue_dma source(%arg21 : memref<128x256xf32, #tpu.memory_space<vmem>>) target(%dma_start3A_602 : memref<128x256xf32, #tpu.memory_space<hbm>>) target_semaphore(%arg28 : memref<!tpu.dma_semaphore, #tpu.memory_space<semaphore_mem>>)
    %dma_wait3A_603 = arith.constant 0 : i32
    %dma_wait3A_604 = tpu.memref_slice %arg6[%add3A_598, %dma_wait3A_603] : memref<24576x256xf32, #tpu.memory_space<hbm>> -> memref<128x256xf32, #tpu.memory_space<hbm>>
    %dma_wait3A_605 = arith.constant 0 : i32
    %dma_wait3A_606 = tpu.memref_slice %arg6[%add3A_598, %dma_wait3A_605] : memref<24576x256xf32, #tpu.memory_space<hbm>> -> memref<128x256xf32, #tpu.memory_space<hbm>>
    tpu.wait_dma2 semaphore(%arg28 : memref<!tpu.dma_semaphore, #tpu.memory_space<semaphore_mem>>) src(%arg21 : memref<128x256xf32, #tpu.memory_space<vmem>>) dst(%dma_wait3A_606 : memref<128x256xf32, #tpu.memory_space<hbm>>)
    %dma_start3A_607 = arith.constant 0 : i32
    %dma_start3A_608 = arith.constant 0 : i32
    %dma_start3A_609 = tpu.memref_slice %arg2[%dma_start3A_607, %dma_start3A_608] : memref<50000x256xf32, #tpu.memory_space<hbm>> -> memref<50000x256xf32, #tpu.memory_space<hbm>>
    tpu.enqueue_indirect_dma source(%dma_start3A_609 : memref<50000x256xf32, #tpu.memory_space<hbm>>) target(%arg21 : memref<128x256xf32, #tpu.memory_space<vmem>>) offsets(%arg16 : memref<128xi32, #tpu.memory_space<vmem>>) semaphore(%arg26 : memref<!tpu.dma_semaphore, #tpu.memory_space<semaphore_mem>>)
    %dma_wait3A_610 = arith.constant 0 : i32
    %dma_wait3A_611 = arith.constant 0 : i32
    %dma_wait3A_612 = tpu.memref_slice %arg2[%dma_wait3A_610, %dma_wait3A_611] : memref<50000x256xf32, #tpu.memory_space<hbm>> -> memref<50000x256xf32, #tpu.memory_space<hbm>>
    tpu.wait_indirect_dma semaphore(%arg25 : memref<!tpu.dma_semaphore, #tpu.memory_space<semaphore_mem>>) src(%dma_wait3A_612 : memref<50000x256xf32, #tpu.memory_space<hbm>>) dst(%arg20 : memref<128x256xf32, #tpu.memory_space<vmem>>)
    %mul3A_613 = arith.constant 256 : i32
    %mul3A_614 = arith.muli %add3A, %mul3A_613 : i32
    %add3A_615 = arith.constant 16384 : i32
    %add3A_616 = arith.addi %add3A_615, %mul3A_614 : i32
    %add3A_617 = arith.constant 0 : i32
    %add3A_618 = arith.addi %add3A_616, %add3A_617 : i32
    %dma_start3A_619 = arith.constant 0 : i32
    %dma_start3A_620 = tpu.memref_slice %arg6[%add3A_618, %dma_start3A_619] : memref<24576x256xf32, #tpu.memory_space<hbm>> -> memref<128x256xf32, #tpu.memory_space<hbm>>
    %dma_start3A_621 = arith.constant 0 : i32
    %dma_start3A_622 = tpu.memref_slice %arg6[%add3A_618, %dma_start3A_621] : memref<24576x256xf32, #tpu.memory_space<hbm>> -> memref<128x256xf32, #tpu.memory_space<hbm>>
    tpu.enqueue_dma source(%arg20 : memref<128x256xf32, #tpu.memory_space<vmem>>) target(%dma_start3A_622 : memref<128x256xf32, #tpu.memory_space<hbm>>) target_semaphore(%arg27 : memref<!tpu.dma_semaphore, #tpu.memory_space<semaphore_mem>>)
    %dma_wait3A_623 = arith.constant 0 : i32
    %dma_wait3A_624 = arith.constant 0 : i32
    %dma_wait3A_625 = tpu.memref_slice %arg2[%dma_wait3A_623, %dma_wait3A_624] : memref<50000x256xf32, #tpu.memory_space<hbm>> -> memref<50000x256xf32, #tpu.memory_space<hbm>>
    tpu.wait_indirect_dma semaphore(%arg26 : memref<!tpu.dma_semaphore, #tpu.memory_space<semaphore_mem>>) src(%dma_wait3A_625 : memref<50000x256xf32, #tpu.memory_space<hbm>>) dst(%arg21 : memref<128x256xf32, #tpu.memory_space<vmem>>)
    %mul3A_626 = arith.constant 256 : i32
    %mul3A_627 = arith.muli %add3A, %mul3A_626 : i32
    %add3A_628 = arith.constant 16384 : i32
    %add3A_629 = arith.addi %add3A_628, %mul3A_627 : i32
    %add3A_630 = arith.constant 128 : i32
    %add3A_631 = arith.addi %add3A_629, %add3A_630 : i32
    %dma_start3A_632 = arith.constant 0 : i32
    %dma_start3A_633 = tpu.memref_slice %arg6[%add3A_631, %dma_start3A_632] : memref<24576x256xf32, #tpu.memory_space<hbm>> -> memref<128x256xf32, #tpu.memory_space<hbm>>
    %dma_start3A_634 = arith.constant 0 : i32
    %dma_start3A_635 = tpu.memref_slice %arg6[%add3A_631, %dma_start3A_634] : memref<24576x256xf32, #tpu.memory_space<hbm>> -> memref<128x256xf32, #tpu.memory_space<hbm>>
    tpu.enqueue_dma source(%arg21 : memref<128x256xf32, #tpu.memory_space<vmem>>) target(%dma_start3A_635 : memref<128x256xf32, #tpu.memory_space<hbm>>) target_semaphore(%arg28 : memref<!tpu.dma_semaphore, #tpu.memory_space<semaphore_mem>>)
    %dma_wait3A_636 = arith.constant 0 : i32
    %dma_wait3A_637 = tpu.memref_slice %arg6[%add3A_618, %dma_wait3A_636] : memref<24576x256xf32, #tpu.memory_space<hbm>> -> memref<128x256xf32, #tpu.memory_space<hbm>>
    %dma_wait3A_638 = arith.constant 0 : i32
    %dma_wait3A_639 = tpu.memref_slice %arg6[%add3A_618, %dma_wait3A_638] : memref<24576x256xf32, #tpu.memory_space<hbm>> -> memref<128x256xf32, #tpu.memory_space<hbm>>
    tpu.wait_dma2 semaphore(%arg27 : memref<!tpu.dma_semaphore, #tpu.memory_space<semaphore_mem>>) src(%arg20 : memref<128x256xf32, #tpu.memory_space<vmem>>) dst(%dma_wait3A_639 : memref<128x256xf32, #tpu.memory_space<hbm>>)
    %dma_wait3A_640 = arith.constant 0 : i32
    %dma_wait3A_641 = tpu.memref_slice %arg6[%add3A_631, %dma_wait3A_640] : memref<24576x256xf32, #tpu.memory_space<hbm>> -> memref<128x256xf32, #tpu.memory_space<hbm>>
    %dma_wait3A_642 = arith.constant 0 : i32
    %dma_wait3A_643 = tpu.memref_slice %arg6[%add3A_631, %dma_wait3A_642] : memref<24576x256xf32, #tpu.memory_space<hbm>> -> memref<128x256xf32, #tpu.memory_space<hbm>>
    tpu.wait_dma2 semaphore(%arg28 : memref<!tpu.dma_semaphore, #tpu.memory_space<semaphore_mem>>) src(%arg21 : memref<128x256xf32, #tpu.memory_space<vmem>>) dst(%dma_wait3A_643 : memref<128x256xf32, #tpu.memory_space<hbm>>)
    %dma_start3A_644 = arith.constant 0 : i32
    %dma_start3A_645 = arith.constant 0 : i32
    %dma_start3A_646 = tpu.memref_slice %arg2[%dma_start3A_644, %dma_start3A_645] : memref<50000x256xf32, #tpu.memory_space<hbm>> -> memref<50000x256xf32, #tpu.memory_space<hbm>>
    tpu.enqueue_indirect_dma source(%dma_start3A_646 : memref<50000x256xf32, #tpu.memory_space<hbm>>) target(%arg22 : memref<32x256xf32, #tpu.memory_space<vmem>>) offsets(%arg17 : memref<32xi32, #tpu.memory_space<vmem>>) semaphore(%arg25 : memref<!tpu.dma_semaphore, #tpu.memory_space<semaphore_mem>>)
    %dma_start3A_647 = arith.constant 0 : i32
    %dma_start3A_648 = arith.constant 0 : i32
    %dma_start3A_649 = tpu.memref_slice %arg2[%dma_start3A_647, %dma_start3A_648] : memref<50000x256xf32, #tpu.memory_space<hbm>> -> memref<50000x256xf32, #tpu.memory_space<hbm>>
    tpu.enqueue_indirect_dma source(%dma_start3A_649 : memref<50000x256xf32, #tpu.memory_space<hbm>>) target(%arg23 : memref<32x256xf32, #tpu.memory_space<vmem>>) offsets(%arg18 : memref<32xi32, #tpu.memory_space<vmem>>) semaphore(%arg26 : memref<!tpu.dma_semaphore, #tpu.memory_space<semaphore_mem>>)
    %dma_wait3A_650 = arith.constant 0 : i32
    %dma_wait3A_651 = arith.constant 0 : i32
    %dma_wait3A_652 = tpu.memref_slice %arg2[%dma_wait3A_650, %dma_wait3A_651] : memref<50000x256xf32, #tpu.memory_space<hbm>> -> memref<50000x256xf32, #tpu.memory_space<hbm>>
    tpu.wait_indirect_dma semaphore(%arg25 : memref<!tpu.dma_semaphore, #tpu.memory_space<semaphore_mem>>) src(%dma_wait3A_652 : memref<50000x256xf32, #tpu.memory_space<hbm>>) dst(%arg22 : memref<32x256xf32, #tpu.memory_space<vmem>>)
    %mul3A_653 = arith.constant 32 : i32
    %mul3A_654 = arith.muli %add3A, %mul3A_653 : i32
    %add3A_655 = arith.constant 0 : i32
    %add3A_656 = arith.addi %add3A_655, %mul3A_654 : i32
    %dma_start3A_657 = arith.constant 0 : i32
    %dma_start3A_658 = tpu.memref_slice %arg7[%add3A_656, %dma_start3A_657] : memref<3072x256xf32, #tpu.memory_space<hbm>> -> memref<32x256xf32, #tpu.memory_space<hbm>>
    %dma_start3A_659 = arith.constant 0 : i32
    %dma_start3A_660 = tpu.memref_slice %arg7[%add3A_656, %dma_start3A_659] : memref<3072x256xf32, #tpu.memory_space<hbm>> -> memref<32x256xf32, #tpu.memory_space<hbm>>
    tpu.enqueue_dma source(%arg22 : memref<32x256xf32, #tpu.memory_space<vmem>>) target(%dma_start3A_660 : memref<32x256xf32, #tpu.memory_space<hbm>>) target_semaphore(%arg27 : memref<!tpu.dma_semaphore, #tpu.memory_space<semaphore_mem>>)
    %dma_wait3A_661 = arith.constant 0 : i32
    %dma_wait3A_662 = tpu.memref_slice %arg7[%add3A_656, %dma_wait3A_661] : memref<3072x256xf32, #tpu.memory_space<hbm>> -> memref<32x256xf32, #tpu.memory_space<hbm>>
    %dma_wait3A_663 = arith.constant 0 : i32
    %dma_wait3A_664 = tpu.memref_slice %arg7[%add3A_656, %dma_wait3A_663] : memref<3072x256xf32, #tpu.memory_space<hbm>> -> memref<32x256xf32, #tpu.memory_space<hbm>>
    tpu.wait_dma2 semaphore(%arg27 : memref<!tpu.dma_semaphore, #tpu.memory_space<semaphore_mem>>) src(%arg22 : memref<32x256xf32, #tpu.memory_space<vmem>>) dst(%dma_wait3A_664 : memref<32x256xf32, #tpu.memory_space<hbm>>)
    %dma_start3A_665 = arith.constant 0 : i32
    %dma_start3A_666 = arith.constant 0 : i32
    %dma_start3A_667 = tpu.memref_slice %arg2[%dma_start3A_665, %dma_start3A_666] : memref<50000x256xf32, #tpu.memory_space<hbm>> -> memref<50000x256xf32, #tpu.memory_space<hbm>>
    tpu.enqueue_indirect_dma source(%dma_start3A_667 : memref<50000x256xf32, #tpu.memory_space<hbm>>) target(%arg22 : memref<32x256xf32, #tpu.memory_space<vmem>>) offsets(%arg19 : memref<32xi32, #tpu.memory_space<vmem>>) semaphore(%arg25 : memref<!tpu.dma_semaphore, #tpu.memory_space<semaphore_mem>>)
    %dma_wait3A_668 = arith.constant 0 : i32
    %dma_wait3A_669 = arith.constant 0 : i32
    %dma_wait3A_670 = tpu.memref_slice %arg2[%dma_wait3A_668, %dma_wait3A_669] : memref<50000x256xf32, #tpu.memory_space<hbm>> -> memref<50000x256xf32, #tpu.memory_space<hbm>>
    tpu.wait_indirect_dma semaphore(%arg26 : memref<!tpu.dma_semaphore, #tpu.memory_space<semaphore_mem>>) src(%dma_wait3A_670 : memref<50000x256xf32, #tpu.memory_space<hbm>>) dst(%arg23 : memref<32x256xf32, #tpu.memory_space<vmem>>)
    %mul3A_671 = arith.constant 32 : i32
    %mul3A_672 = arith.muli %add3A, %mul3A_671 : i32
    %add3A_673 = arith.constant 1024 : i32
    %add3A_674 = arith.addi %add3A_673, %mul3A_672 : i32
    %dma_start3A_675 = arith.constant 0 : i32
    %dma_start3A_676 = tpu.memref_slice %arg7[%add3A_674, %dma_start3A_675] : memref<3072x256xf32, #tpu.memory_space<hbm>> -> memref<32x256xf32, #tpu.memory_space<hbm>>
    %dma_start3A_677 = arith.constant 0 : i32
    %dma_start3A_678 = tpu.memref_slice %arg7[%add3A_674, %dma_start3A_677] : memref<3072x256xf32, #tpu.memory_space<hbm>> -> memref<32x256xf32, #tpu.memory_space<hbm>>
    tpu.enqueue_dma source(%arg23 : memref<32x256xf32, #tpu.memory_space<vmem>>) target(%dma_start3A_678 : memref<32x256xf32, #tpu.memory_space<hbm>>) target_semaphore(%arg28 : memref<!tpu.dma_semaphore, #tpu.memory_space<semaphore_mem>>)
    %dma_wait3A_679 = arith.constant 0 : i32
    %dma_wait3A_680 = arith.constant 0 : i32
    %dma_wait3A_681 = tpu.memref_slice %arg2[%dma_wait3A_679, %dma_wait3A_680] : memref<50000x256xf32, #tpu.memory_space<hbm>> -> memref<50000x256xf32, #tpu.memory_space<hbm>>
    tpu.wait_indirect_dma semaphore(%arg25 : memref<!tpu.dma_semaphore, #tpu.memory_space<semaphore_mem>>) src(%dma_wait3A_681 : memref<50000x256xf32, #tpu.memory_space<hbm>>) dst(%arg22 : memref<32x256xf32, #tpu.memory_space<vmem>>)
    %mul3A_682 = arith.constant 32 : i32
    %mul3A_683 = arith.muli %add3A, %mul3A_682 : i32
    %add3A_684 = arith.constant 2048 : i32
    %add3A_685 = arith.addi %add3A_684, %mul3A_683 : i32
    %dma_start3A_686 = arith.constant 0 : i32
    %dma_start3A_687 = tpu.memref_slice %arg7[%add3A_685, %dma_start3A_686] : memref<3072x256xf32, #tpu.memory_space<hbm>> -> memref<32x256xf32, #tpu.memory_space<hbm>>
    %dma_start3A_688 = arith.constant 0 : i32
    %dma_start3A_689 = tpu.memref_slice %arg7[%add3A_685, %dma_start3A_688] : memref<3072x256xf32, #tpu.memory_space<hbm>> -> memref<32x256xf32, #tpu.memory_space<hbm>>
    tpu.enqueue_dma source(%arg22 : memref<32x256xf32, #tpu.memory_space<vmem>>) target(%dma_start3A_689 : memref<32x256xf32, #tpu.memory_space<hbm>>) target_semaphore(%arg27 : memref<!tpu.dma_semaphore, #tpu.memory_space<semaphore_mem>>)
    %dma_wait3A_690 = arith.constant 0 : i32
    %dma_wait3A_691 = tpu.memref_slice %arg7[%add3A_674, %dma_wait3A_690] : memref<3072x256xf32, #tpu.memory_space<hbm>> -> memref<32x256xf32, #tpu.memory_space<hbm>>
    %dma_wait3A_692 = arith.constant 0 : i32
    %dma_wait3A_693 = tpu.memref_slice %arg7[%add3A_674, %dma_wait3A_692] : memref<3072x256xf32, #tpu.memory_space<hbm>> -> memref<32x256xf32, #tpu.memory_space<hbm>>
    tpu.wait_dma2 semaphore(%arg28 : memref<!tpu.dma_semaphore, #tpu.memory_space<semaphore_mem>>) src(%arg23 : memref<32x256xf32, #tpu.memory_space<vmem>>) dst(%dma_wait3A_693 : memref<32x256xf32, #tpu.memory_space<hbm>>)
    %dma_wait3A_694 = arith.constant 0 : i32
    %dma_wait3A_695 = tpu.memref_slice %arg7[%add3A_685, %dma_wait3A_694] : memref<3072x256xf32, #tpu.memory_space<hbm>> -> memref<32x256xf32, #tpu.memory_space<hbm>>
    %dma_wait3A_696 = arith.constant 0 : i32
    %dma_wait3A_697 = tpu.memref_slice %arg7[%add3A_685, %dma_wait3A_696] : memref<3072x256xf32, #tpu.memory_space<hbm>> -> memref<32x256xf32, #tpu.memory_space<hbm>>
    tpu.wait_dma2 semaphore(%arg27 : memref<!tpu.dma_semaphore, #tpu.memory_space<semaphore_mem>>) src(%arg22 : memref<32x256xf32, #tpu.memory_space<vmem>>) dst(%dma_wait3A_697 : memref<32x256xf32, #tpu.memory_space<hbm>>)
    return
  }
}

module attributes {stable_mosaic.version = 14 : i64} {
  func.func @_tc_body(%arg0: i32, %arg1: i32, %arg2: memref<1x1024x2048xf32, #tpu.memory_space<vmem>>, %arg3: memref<1x2048x256xf32, #tpu.memory_space<vmem>>, %arg4: memref<1x1024x256xf32, #tpu.memory_space<vmem>>, %arg5: memref<1x256x1024xf32, #tpu.memory_space<vmem>>, %arg6: memref<1x1024x1xi32, #tpu.memory_space<vmem>>, %arg7: memref<1x256x1xi32, #tpu.memory_space<vmem>>, %arg8: memref<256x128xf32, #tpu.memory_space<vmem>>, %arg9: memref<256x128xf32, #tpu.memory_space<vmem>>, %arg10: memref<128x128xf32, #tpu.memory_space<vmem>>, %arg11: memref<128x128xf32, #tpu.memory_space<vmem>>, %arg12: memref<128x1xf32, #tpu.memory_space<vmem>>, %arg13: memref<128x2xf32, #tpu.memory_space<vmem>>, %arg14: memref<256x2xf32, #tpu.memory_space<vmem>>, %arg15: memref<1024x256xf32, #tpu.memory_space<vmem>>, %arg16: memref<256x128xf32, #tpu.memory_space<vmem>>) attributes {dimension_semantics = [#tpu.dimension_semantics<arbitrary>, #tpu.dimension_semantics<arbitrary>], iteration_bounds = array<i64: 3, 4>, scalar_prefetch = 0 : i64, scratch_operands = 2 : i64, tpu.core_type = #tpu.core_type<tc>, window_params = [{transform_indices = @transform_0, window_bounds = array<i64: 1, 1024, 2048>}, {transform_indices = @transform_1, window_bounds = array<i64: 1, 2048, 256>}, {transform_indices = @transform_2, window_bounds = array<i64: 1, 1024, 256>}, {transform_indices = @transform_3, window_bounds = array<i64: 1, 256, 1024>}, {transform_indices = @transform_4, window_bounds = array<i64: 1, 1024, 1>}, {transform_indices = @transform_5, window_bounds = array<i64: 1, 256, 1>}, {pipeline_mode = #tpu.pipeline_mode<synchronous>, transform_indices = @transform_6, window_bounds = array<i64: 256, 128>}, {pipeline_mode = #tpu.pipeline_mode<synchronous>, transform_indices = @transform_7, window_bounds = array<i64: 256, 128>}, {pipeline_mode = #tpu.pipeline_mode<synchronous>, transform_indices = @transform_8, window_bounds = array<i64: 128, 128>}, {pipeline_mode = #tpu.pipeline_mode<synchronous>, transform_indices = @transform_9, window_bounds = array<i64: 128, 128>}, {pipeline_mode = #tpu.pipeline_mode<synchronous>, transform_indices = @transform_10, window_bounds = array<i64: 128, 1>}, {pipeline_mode = #tpu.pipeline_mode<synchronous>, transform_indices = @transform_11, window_bounds = array<i64: 128, 2>}, {pipeline_mode = #tpu.pipeline_mode<synchronous>, transform_indices = @transform_12, window_bounds = array<i64: 256, 2>}]} {
    %get3A = arith.constant 0 : index
    %get3A_0 = arith.constant 0 : index
    %get3A_1 = arith.constant 0 : index
    %get3A_2 = vector.load %arg2[%get3A, %get3A_0, %get3A_1] : memref<1x1024x2048xf32, #tpu.memory_space<vmem>>, vector<1x1024x2048xf32>
    %get3A_3 = vector.shape_cast %get3A_2 : vector<1x1024x2048xf32> to vector<1024x2048xf32>
    %get3A_4 = arith.constant 0 : index
    %get3A_5 = arith.constant 0 : index
    %get3A_6 = arith.constant 0 : index
    %get3A_7 = vector.load %arg3[%get3A_4, %get3A_5, %get3A_6] : memref<1x2048x256xf32, #tpu.memory_space<vmem>>, vector<1x2048x256xf32>
    %get3A_8 = vector.shape_cast %get3A_7 : vector<1x2048x256xf32> to vector<2048x256xf32>
    %dot_general3A = arith.constant dense<0.000000e+00> : vector<1024x256xf32>
    %dot_general3A_9 = tpu.matmul %get3A_3, %get3A_8, %dot_general3A {dimension_numbers = #tpu.dot_dimension_numbers<[1], [0], [0], [1], [0, 0, 1, 1], [], []>, transpose_lhs_hint = false} : vector<1024x2048xf32>, vector<2048x256xf32>, vector<1024x256xf32> -> vector<1024x256xf32>
    %eq3A = arith.constant 0 : i32
    %eq3A_10 = arith.cmpi eq, %arg1, %eq3A : i32
    %convert_element_type3A = arith.extui %eq3A_10 : i1 to i32
    %cond3A = arith.constant 0 : i32
    %cond3A_11 = arith.cmpi ne, %convert_element_type3A, %cond3A : i32
    scf.if %cond3A_11 {
      %swap3A = arith.constant 0 : index
      %swap3A_21 = arith.constant 0 : index
      %swap3A_22 = vector.load %arg15[%swap3A, %swap3A_21] : memref<1024x256xf32, #tpu.memory_space<vmem>>, vector<1024x256xf32>
      tpu.vector_store %arg15[%swap3A, %swap3A_21], %dot_general3A_9 {strides = array<i32>} : memref<1024x256xf32, #tpu.memory_space<vmem>>, vector<1024x256xf32>,
    } else {
    }
    %ne3A = arith.constant 0 : i32
    %ne3A_12 = arith.cmpi ne, %arg1, %ne3A : i32
    %convert_element_type3A_13 = arith.extui %ne3A_12 : i1 to i32
    %cond3A_14 = arith.constant 0 : i32
    %cond3A_15 = arith.cmpi ne, %convert_element_type3A_13, %cond3A_14 : i32
    scf.if %cond3A_15 {
      %get3A_21 = arith.constant 0 : index
      %get3A_22 = arith.constant 0 : index
      %get3A_23 = vector.load %arg15[%get3A_21, %get3A_22] : memref<1024x256xf32, #tpu.memory_space<vmem>>, vector<1024x256xf32>
      %add3A = arith.addf %get3A_23, %dot_general3A_9 : vector<1024x256xf32>
      %swap3A = arith.constant 0 : index
      %swap3A_24 = arith.constant 0 : index
      %swap3A_25 = vector.load %arg15[%swap3A, %swap3A_24] : memref<1024x256xf32, #tpu.memory_space<vmem>>, vector<1024x256xf32>
      tpu.vector_store %arg15[%swap3A, %swap3A_24], %add3A {strides = array<i32>} : memref<1024x256xf32, #tpu.memory_space<vmem>>, vector<1024x256xf32>,
    } else {
    }
    %eq3A_16 = arith.constant 3 : i32
    %eq3A_17 = arith.cmpi eq, %arg1, %eq3A_16 : i32
    %convert_element_type3A_18 = arith.extui %eq3A_17 : i1 to i32
    %cond3A_19 = arith.constant 0 : i32
    %cond3A_20 = arith.cmpi ne, %convert_element_type3A_18, %cond3A_19 : i32
    scf.if %cond3A_20 {
      %get3A_21 = arith.constant 0 : index
      %get3A_22 = arith.constant 0 : index
      %get3A_23 = vector.load %arg15[%get3A_21, %get3A_22] : memref<1024x256xf32, #tpu.memory_space<vmem>>, vector<1024x256xf32>
      %get3A_24 = arith.constant 0 : index
      %get3A_25 = arith.constant 0 : index
      %get3A_26 = vector.load %arg8[%get3A_24, %get3A_25] : memref<256x128xf32, #tpu.memory_space<vmem>>, vector<256x128xf32>
      %dot_general3A_27 = arith.constant dense<0.000000e+00> : vector<1024x128xf32>
      %dot_general3A_28 = tpu.matmul %get3A_23, %get3A_26, %dot_general3A_27 {dimension_numbers = #tpu.dot_dimension_numbers<[1], [0], [0], [1], [0, 0, 1, 1], [], []>, transpose_lhs_hint = false} : vector<1024x256xf32>, vector<256x128xf32>, vector<1024x128xf32> -> vector<1024x128xf32>
      %get3A_29 = arith.constant 0 : index
      %get3A_30 = arith.constant 0 : index
      %get3A_31 = arith.constant 0 : index
      %get3A_32 = vector.load %arg4[%get3A_29, %get3A_30, %get3A_31] : memref<1x1024x256xf32, #tpu.memory_space<vmem>>, vector<1x1024x256xf32>
      %get3A_33 = vector.shape_cast %get3A_32 : vector<1x1024x256xf32> to vector<1024x256xf32>
      %get3A_34 = arith.constant 0 : index
      %get3A_35 = arith.constant 0 : index
      %get3A_36 = vector.load %arg9[%get3A_34, %get3A_35] : memref<256x128xf32, #tpu.memory_space<vmem>>, vector<256x128xf32>
      %dot_general3A_37 = arith.constant dense<0.000000e+00> : vector<1024x128xf32>
      %dot_general3A_38 = tpu.matmul %get3A_33, %get3A_36, %dot_general3A_37 {dimension_numbers = #tpu.dot_dimension_numbers<[1], [0], [0], [1], [0, 0, 1, 1], [], []>, transpose_lhs_hint = false} : vector<1024x256xf32>, vector<256x128xf32>, vector<1024x128xf32> -> vector<1024x128xf32>
      %add3A = arith.addf %dot_general3A_28, %dot_general3A_38 : vector<1024x128xf32>
      %get3A_39 = arith.constant 0 : index
      %get3A_40 = arith.constant 0 : index
      %get3A_41 = vector.load %arg12[%get3A_39, %get3A_40] : memref<128x1xf32, #tpu.memory_space<vmem>>, vector<128x1xf32>
      %dot_general3A_42 = arith.constant dense<0.000000e+00> : vector<1024x1xf32>
      %dot_general3A_43 = tpu.matmul %add3A, %get3A_41, %dot_general3A_42 {dimension_numbers = #tpu.dot_dimension_numbers<[1], [0], [0], [1], [0, 0, 1, 1], [], []>, transpose_lhs_hint = false} : vector<1024x128xf32>, vector<128x1xf32>, vector<1024x1xf32> -> vector<1024x1xf32>
      %reduce_max3A = arith.constant dense<0xFF800000> : vector<1xf32>
      %reduce_max3A_44 = vector.multi_reduction <maximumf>, %dot_general3A_43, %reduce_max3A [0] : vector<1024x1xf32> to vector<1xf32>
      %broadcast_in_dim3A = vector.shape_cast %reduce_max3A_44 : vector<1xf32> to vector<1x1xf32>
      %sub3A = vector.broadcast %broadcast_in_dim3A : vector<1x1xf32> to vector<1024x1xf32>
      %sub3A_45 = arith.subf %dot_general3A_43, %sub3A : vector<1024x1xf32>
      %exp3A = math.exp %sub3A_45 : vector<1024x1xf32>
      %reduce_sum3A = arith.constant dense<0.000000e+00> : vector<1xf32>
      %reduce_sum3A_46 = vector.multi_reduction <add>, %exp3A, %reduce_sum3A [0] : vector<1024x1xf32> to vector<1xf32>
      %broadcast_in_dim3A_47 = vector.shape_cast %reduce_sum3A_46 : vector<1xf32> to vector<1x1xf32>
      %div3A = vector.broadcast %broadcast_in_dim3A_47 : vector<1x1xf32> to vector<1024x1xf32>
      %div3A_48 = arith.divf %exp3A, %div3A : vector<1024x1xf32>
      %mul3A = vector.broadcast %div3A_48 : vector<1024x1xf32> to vector<1024x128xf32>
      %mul3A_49 = arith.mulf %add3A, %mul3A : vector<1024x128xf32>
      %iota3A = tpu.iota {dimensions = array<i32: 1>} : vector<1024x1024xi32>
      %get3A_50 = arith.constant 0 : index
      %get3A_51 = arith.constant 0 : index
      %get3A_52 = arith.constant 0 : index
      %get3A_53 = vector.load %arg6[%get3A_50, %get3A_51, %get3A_52] : memref<1x1024x1xi32, #tpu.memory_space<vmem>>, vector<1x1024x1xi32>
      %get3A_54 = vector.shape_cast %get3A_53 : vector<1x1024x1xi32> to vector<1024x1xi32>
      %eq3A_55 = vector.broadcast %get3A_54 : vector<1024x1xi32> to vector<1024x1024xi32>
      %eq3A_56 = arith.cmpi eq, %iota3A, %eq3A_55 : vector<1024x1024xi32>
      %convert_element_type3A_57 = arith.extui %eq3A_56 : vector<1024x1024xi1> to vector<1024x1024xi32>
      %convert_element_type3A_58 = arith.sitofp %convert_element_type3A_57 : vector<1024x1024xi32> to vector<1024x1024xf32>
      %dot_general3A_59 = arith.constant dense<0.000000e+00> : vector<1024x128xf32>
      %dot_general3A_60 = tpu.matmul %convert_element_type3A_58, %mul3A_49, %dot_general3A_59 {dimension_numbers = #tpu.dot_dimension_numbers<[1], [0], [0], [1], [0, 0, 1, 1], [], []>, transpose_lhs_hint = false} : vector<1024x1024xf32>, vector<1024x128xf32>, vector<1024x128xf32> -> vector<1024x128xf32>
      %get3A_61 = arith.constant 0 : index
      %get3A_62 = arith.constant 0 : index
      %get3A_63 = arith.constant 0 : index
      %get3A_64 = vector.load %arg5[%get3A_61, %get3A_62, %get3A_63] : memref<1x256x1024xf32, #tpu.memory_space<vmem>>, vector<1x256x1024xf32>
      %get3A_65 = vector.shape_cast %get3A_64 : vector<1x256x1024xf32> to vector<256x1024xf32>
      %dot_general3A_66 = arith.constant dense<0.000000e+00> : vector<256x128xf32>
      %dot_general3A_67 = tpu.matmul %get3A_65, %dot_general3A_60, %dot_general3A_66 {dimension_numbers = #tpu.dot_dimension_numbers<[1], [0], [0], [1], [0, 0, 1, 1], [], []>, transpose_lhs_hint = false} : vector<256x1024xf32>, vector<1024x128xf32>, vector<256x128xf32> -> vector<256x128xf32>
      %iota3A_68 = tpu.iota {dimensions = array<i32: 1>} : vector<256x1024xi32>
      %get3A_69 = arith.constant 0 : index
      %get3A_70 = arith.constant 0 : index
      %get3A_71 = arith.constant 0 : index
      %get3A_72 = vector.load %arg7[%get3A_69, %get3A_70, %get3A_71] : memref<1x256x1xi32, #tpu.memory_space<vmem>>, vector<1x256x1xi32>
      %get3A_73 = vector.shape_cast %get3A_72 : vector<1x256x1xi32> to vector<256x1xi32>
      %eq3A_74 = vector.broadcast %get3A_73 : vector<256x1xi32> to vector<256x1024xi32>
      %eq3A_75 = arith.cmpi eq, %iota3A_68, %eq3A_74 : vector<256x1024xi32>
      %convert_element_type3A_76 = arith.extui %eq3A_75 : vector<256x1024xi1> to vector<256x1024xi32>
      %convert_element_type3A_77 = arith.sitofp %convert_element_type3A_76 : vector<256x1024xi32> to vector<256x1024xf32>
      %dot_general3A_78 = arith.constant dense<0.000000e+00> : vector<256x128xf32>
      %dot_general3A_79 = tpu.matmul %convert_element_type3A_77, %mul3A_49, %dot_general3A_78 {dimension_numbers = #tpu.dot_dimension_numbers<[1], [0], [0], [1], [0, 0, 1, 1], [], []>, transpose_lhs_hint = false} : vector<256x1024xf32>, vector<1024x128xf32>, vector<256x128xf32> -> vector<256x128xf32>
      %get3A_80 = arith.constant 0 : index
      %get3A_81 = arith.constant 0 : index
      %get3A_82 = vector.load %arg10[%get3A_80, %get3A_81] : memref<128x128xf32, #tpu.memory_space<vmem>>, vector<128x128xf32>
      %dot_general3A_83 = arith.constant dense<0.000000e+00> : vector<256x128xf32>
      %dot_general3A_84 = tpu.matmul %dot_general3A_67, %get3A_82, %dot_general3A_83 {dimension_numbers = #tpu.dot_dimension_numbers<[1], [0], [0], [1], [0, 0, 1, 1], [], []>, transpose_lhs_hint = false} : vector<256x128xf32>, vector<128x128xf32>, vector<256x128xf32> -> vector<256x128xf32>
      %get3A_85 = arith.constant 0 : index
      %get3A_86 = arith.constant 0 : index
      %get3A_87 = vector.load %arg11[%get3A_85, %get3A_86] : memref<128x128xf32, #tpu.memory_space<vmem>>, vector<128x128xf32>
      %dot_general3A_88 = arith.constant dense<0.000000e+00> : vector<256x128xf32>
      %dot_general3A_89 = tpu.matmul %dot_general3A_79, %get3A_87, %dot_general3A_88 {dimension_numbers = #tpu.dot_dimension_numbers<[1], [0], [0], [1], [0, 0, 1, 1], [], []>, transpose_lhs_hint = false} : vector<256x128xf32>, vector<128x128xf32>, vector<256x128xf32> -> vector<256x128xf32>
      %add3A_90 = arith.addf %dot_general3A_84, %dot_general3A_89 : vector<256x128xf32>
      %get3A_91 = arith.constant 0 : index
      %get3A_92 = arith.constant 0 : index
      %get3A_93 = vector.load %arg12[%get3A_91, %get3A_92] : memref<128x1xf32, #tpu.memory_space<vmem>>, vector<128x1xf32>
      %dot_general3A_94 = arith.constant dense<0.000000e+00> : vector<256x1xf32>
      %dot_general3A_95 = tpu.matmul %add3A_90, %get3A_93, %dot_general3A_94 {dimension_numbers = #tpu.dot_dimension_numbers<[1], [0], [0], [1], [0, 0, 1, 1], [], []>, transpose_lhs_hint = false} : vector<256x128xf32>, vector<128x1xf32>, vector<256x1xf32> -> vector<256x1xf32>
      %reduce_max3A_96 = arith.constant dense<0xFF800000> : vector<1xf32>
      %reduce_max3A_97 = vector.multi_reduction <maximumf>, %dot_general3A_95, %reduce_max3A_96 [0] : vector<256x1xf32> to vector<1xf32>
      %broadcast_in_dim3A_98 = vector.shape_cast %reduce_max3A_97 : vector<1xf32> to vector<1x1xf32>
      %sub3A_99 = vector.broadcast %broadcast_in_dim3A_98 : vector<1x1xf32> to vector<256x1xf32>
      %sub3A_100 = arith.subf %dot_general3A_95, %sub3A_99 : vector<256x1xf32>
      %exp3A_101 = math.exp %sub3A_100 : vector<256x1xf32>
      %reduce_sum3A_102 = arith.constant dense<0.000000e+00> : vector<1xf32>
      %reduce_sum3A_103 = vector.multi_reduction <add>, %exp3A_101, %reduce_sum3A_102 [0] : vector<256x1xf32> to vector<1xf32>
      %broadcast_in_dim3A_104 = vector.shape_cast %reduce_sum3A_103 : vector<1xf32> to vector<1x1xf32>
      %div3A_105 = vector.broadcast %broadcast_in_dim3A_104 : vector<1x1xf32> to vector<256x1xf32>
      %div3A_106 = arith.divf %exp3A_101, %div3A_105 : vector<256x1xf32>
      %mul3A_107 = vector.broadcast %div3A_106 : vector<256x1xf32> to vector<256x128xf32>
      %mul3A_108 = arith.mulf %add3A_90, %mul3A_107 : vector<256x128xf32>
      %eq3A_109 = arith.constant 0 : i32
      %eq3A_110 = arith.cmpi eq, %arg0, %eq3A_109 : i32
      %convert_element_type3A_111 = arith.extui %eq3A_110 : i1 to i32
      %cond3A_112 = arith.constant 0 : i32
      %cond3A_113 = arith.cmpi ne, %convert_element_type3A_111, %cond3A_112 : i32
      scf.if %cond3A_113 {
        %swap3A = arith.constant 0 : index
        %swap3A_124 = arith.constant 0 : index
        %swap3A_125 = vector.load %arg16[%swap3A, %swap3A_124] : memref<256x128xf32, #tpu.memory_space<vmem>>, vector<256x128xf32>
        tpu.vector_store %arg16[%swap3A, %swap3A_124], %mul3A_108 {strides = array<i32>} : memref<256x128xf32, #tpu.memory_space<vmem>>, vector<256x128xf32>,
      } else {
      }
      %ne3A_114 = arith.constant 0 : i32
      %ne3A_115 = arith.cmpi ne, %arg0, %ne3A_114 : i32
      %convert_element_type3A_116 = arith.extui %ne3A_115 : i1 to i32
      %cond3A_117 = arith.constant 0 : i32
      %cond3A_118 = arith.cmpi ne, %convert_element_type3A_116, %cond3A_117 : i32
      scf.if %cond3A_118 {
        %get3A_124 = arith.constant 0 : index
        %get3A_125 = arith.constant 0 : index
        %get3A_126 = vector.load %arg16[%get3A_124, %get3A_125] : memref<256x128xf32, #tpu.memory_space<vmem>>, vector<256x128xf32>
        %add3A_127 = arith.addf %get3A_126, %mul3A_108 : vector<256x128xf32>
        %swap3A = arith.constant 0 : index
        %swap3A_128 = arith.constant 0 : index
        %swap3A_129 = vector.load %arg16[%swap3A, %swap3A_128] : memref<256x128xf32, #tpu.memory_space<vmem>>, vector<256x128xf32>
        tpu.vector_store %arg16[%swap3A, %swap3A_128], %add3A_127 {strides = array<i32>} : memref<256x128xf32, #tpu.memory_space<vmem>>, vector<256x128xf32>,
      } else {
      }
      %eq3A_119 = arith.constant 2 : i32
      %eq3A_120 = arith.cmpi eq, %arg0, %eq3A_119 : i32
      %convert_element_type3A_121 = arith.extui %eq3A_120 : i1 to i32
      %cond3A_122 = arith.constant 0 : i32
      %cond3A_123 = arith.cmpi ne, %convert_element_type3A_121, %cond3A_122 : i32
      scf.if %cond3A_123 {
        %get3A_124 = arith.constant 0 : index
        %get3A_125 = arith.constant 0 : index
        %get3A_126 = vector.load %arg16[%get3A_124, %get3A_125] : memref<256x128xf32, #tpu.memory_space<vmem>>, vector<256x128xf32>
        %mul3A_127 = arith.mulf %get3A_126, %get3A_126 : vector<256x128xf32>
        %reduce_sum3A_128 = arith.constant dense<0.000000e+00> : vector<256xf32>
        %reduce_sum3A_129 = vector.multi_reduction <add>, %mul3A_127, %reduce_sum3A_128 [1] : vector<256x128xf32> to vector<256xf32>
        %broadcast_in_dim3A_130 = vector.shape_cast %reduce_sum3A_129 : vector<256xf32> to vector<256x1xf32>
        %max3A = arith.constant 9.99999996E-13 : f32
        %max3A_131 = vector.broadcast %max3A : f32 to vector<256x1xf32>
        %max3A_132 = arith.maximumf %broadcast_in_dim3A_130, %max3A_131 : vector<256x1xf32>
        %rsqrt3A = math.rsqrt %max3A_132 : vector<256x1xf32>
        %mul3A_133 = vector.broadcast %rsqrt3A : vector<256x1xf32> to vector<256x128xf32>
        %mul3A_134 = arith.mulf %get3A_126, %mul3A_133 : vector<256x128xf32>
        %get3A_135 = arith.constant 0 : index
        %get3A_136 = arith.constant 0 : index
        %get3A_137 = vector.load %arg13[%get3A_135, %get3A_136] : memref<128x2xf32, #tpu.memory_space<vmem>>, vector<128x2xf32>
        %dot_general3A_138 = arith.constant dense<0.000000e+00> : vector<256x2xf32>
        %dot_general3A_139 = tpu.matmul %mul3A_134, %get3A_137, %dot_general3A_138 {dimension_numbers = #tpu.dot_dimension_numbers<[1], [0], [0], [1], [0, 0, 1, 1], [], []>, transpose_lhs_hint = false} : vector<256x128xf32>, vector<128x2xf32>, vector<256x2xf32> -> vector<256x2xf32>
        %reduce_max3A_140 = arith.constant dense<0xFF800000> : vector<256xf32>
        %reduce_max3A_141 = vector.multi_reduction <maximumf>, %dot_general3A_139, %reduce_max3A_140 [1] : vector<256x2xf32> to vector<256xf32>
        %broadcast_in_dim3A_142 = vector.shape_cast %reduce_max3A_141 : vector<256xf32> to vector<256x1xf32>
        %sub3A_143 = vector.broadcast %broadcast_in_dim3A_142 : vector<256x1xf32> to vector<256x2xf32>
        %sub3A_144 = arith.subf %dot_general3A_139, %sub3A_143 : vector<256x2xf32>
        %exp3A_145 = math.exp %sub3A_144 : vector<256x2xf32>
        %reduce_sum3A_146 = arith.constant dense<0.000000e+00> : vector<256xf32>
        %reduce_sum3A_147 = vector.multi_reduction <add>, %exp3A_145, %reduce_sum3A_146 [1] : vector<256x2xf32> to vector<256xf32>
        %broadcast_in_dim3A_148 = vector.shape_cast %reduce_sum3A_147 : vector<256xf32> to vector<256x1xf32>
        %div3A_149 = vector.broadcast %broadcast_in_dim3A_148 : vector<256x1xf32> to vector<256x2xf32>
        %div3A_150 = arith.divf %exp3A_145, %div3A_149 : vector<256x2xf32>
        %swap3A = arith.constant 0 : index
        %swap3A_151 = arith.constant 0 : index
        %swap3A_152 = vector.load %arg14[%swap3A, %swap3A_151] : memref<256x2xf32, #tpu.memory_space<vmem>>, vector<256x2xf32>
        tpu.vector_store %arg14[%swap3A, %swap3A_151], %div3A_150 {strides = array<i32>} : memref<256x2xf32, #tpu.memory_space<vmem>>, vector<256x2xf32>,
      } else {
      }
    } else {
    }
    return
  }
  func.func @transform_0(%arg0: i32, %arg1: i32) -> (i32, i32, i32) {
    %c0_i32 = arith.constant 0 : i32
    %c0_i32_0 = arith.constant 0 : i32
    return %arg0, %c0_i32, %arg1 : i32, i32, i32
  }
  func.func @transform_1(%arg0: i32, %arg1: i32) -> (i32, i32, i32) {
    %c0_i32 = arith.constant 0 : i32
    %c0_i32_0 = arith.constant 0 : i32
    return %arg0, %arg1, %c0_i32 : i32, i32, i32
  }
  func.func @transform_2(%arg0: i32, %arg1: i32) -> (i32, i32, i32) {
    %c0_i32 = arith.constant 0 : i32
    %c0_i32_0 = arith.constant 0 : i32
    %c0_i32_1 = arith.constant 0 : i32
    return %arg0, %c0_i32, %c0_i32_0 : i32, i32, i32
  }
  func.func @transform_3(%arg0: i32, %arg1: i32) -> (i32, i32, i32) {
    %c0_i32 = arith.constant 0 : i32
    %c0_i32_0 = arith.constant 0 : i32
    %c0_i32_1 = arith.constant 0 : i32
    return %arg0, %c0_i32, %c0_i32_0 : i32, i32, i32
  }
  func.func @transform_4(%arg0: i32, %arg1: i32) -> (i32, i32, i32) {
    %c0_i32 = arith.constant 0 : i32
    %c0_i32_0 = arith.constant 0 : i32
    %c0_i32_1 = arith.constant 0 : i32
    return %arg0, %c0_i32, %c0_i32_0 : i32, i32, i32
  }
  func.func @transform_5(%arg0: i32, %arg1: i32) -> (i32, i32, i32) {
    %c0_i32 = arith.constant 0 : i32
    %c0_i32_0 = arith.constant 0 : i32
    %c0_i32_1 = arith.constant 0 : i32
    return %arg0, %c0_i32, %c0_i32_0 : i32, i32, i32
  }
  func.func @transform_6(%arg0: i32, %arg1: i32) -> (i32, i32) {
    %c0_i32 = arith.constant 0 : i32
    %c0_i32_0 = arith.constant 0 : i32
    %c0_i32_1 = arith.constant 0 : i32
    return %c0_i32, %c0_i32_0 : i32, i32
  }
  func.func @transform_7(%arg0: i32, %arg1: i32) -> (i32, i32) {
    %c0_i32 = arith.constant 0 : i32
    %c0_i32_0 = arith.constant 0 : i32
    %c0_i32_1 = arith.constant 0 : i32
    return %c0_i32, %c0_i32_0 : i32, i32
  }
  func.func @transform_8(%arg0: i32, %arg1: i32) -> (i32, i32) {
    %c0_i32 = arith.constant 0 : i32
    %c0_i32_0 = arith.constant 0 : i32
    %c0_i32_1 = arith.constant 0 : i32
    return %c0_i32, %c0_i32_0 : i32, i32
  }
  func.func @transform_9(%arg0: i32, %arg1: i32) -> (i32, i32) {
    %c0_i32 = arith.constant 0 : i32
    %c0_i32_0 = arith.constant 0 : i32
    %c0_i32_1 = arith.constant 0 : i32
    return %c0_i32, %c0_i32_0 : i32, i32
  }
  func.func @transform_10(%arg0: i32, %arg1: i32) -> (i32, i32) {
    %c0_i32 = arith.constant 0 : i32
    %c0_i32_0 = arith.constant 0 : i32
    %c0_i32_1 = arith.constant 0 : i32
    return %c0_i32, %c0_i32_0 : i32, i32
  }
  func.func @transform_11(%arg0: i32, %arg1: i32) -> (i32, i32) {
    %c0_i32 = arith.constant 0 : i32
    %c0_i32_0 = arith.constant 0 : i32
    %c0_i32_1 = arith.constant 0 : i32
    return %c0_i32, %c0_i32_0 : i32, i32
  }
  func.func @transform_12(%arg0: i32, %arg1: i32) -> (i32, i32) {
    %c0_i32 = arith.constant 0 : i32
    %c0_i32_0 = arith.constant 0 : i32
    %c0_i32_1 = arith.constant 0 : i32
    return %c0_i32, %c0_i32_0 : i32, i32
  }
}

</mosaic_0001>

<sc_bundles>
// kernel: kernel.4.cloned.1.call-start
scs
__scs_entry_jumppad:
0x0: {  	(pc) =	sbr.rel $0x88, $3  }
0x1: {  	(tag) =	ssettag $0x0;
	lr =	simm.s32 $0x1  }
0x2: {  	[smem:$0x3F95] =	sst lr;
	_ =	strace $0xD0000000  }
0x3: {  	_ = 	snop  }
0x4: {  	_ = 	snop  }
0x5: {  	_ = 	snop  }
0x6: {  	_ = 	snop  }
0x7: {  	_ = 	snop  }
__scs_overlays_trampoline_lowered:
0x8: {  	[smem:$0x3FA4] =	sst s0  }
0x9: {  	[smem:$0x3FA5] =	sst s1  }
0xa: {  	[smem:$0x3FA6] =	sst s2  }
0xb: {  	[smem:$0x3FA7] =	sst s3  }
0xc: {  	[smem:$0x3FA8] =	sst s4  }
0xd: {  	[smem:$0x3FA9] =	sst s5  }
0xe: {  	[smem:$0x3FAA] =	sst s6  }
0xf: {  	[smem:$0x3FAB] =	sst s7  }
0x10: {  	[smem:$0x3FAC] =	sst s8  }
0x11: {  	[smem:$0x3FAD] =	sst s9;
	s0 =	simm.s32 @!p0 $0x0  }
0x12: {  	s1 =	sld [smem:$0x3F93];
	s0 =	simm.s32 @p0 $0x1  }
0x13: {  	[smem:$0x3FAE] =	sst s0;
	s0 =	simm.s32 @!p1 $0x0  }
0x14: {  	s2 =	sld [smem:$0x3F92];
	s0 =	simm.s32 @p1 $0x1  }
0x15: {  	[smem:$0x3FAF] =	sst s0;
	s0 =	simm.s32 @!p2 $0x0  }
0x16: {  	s3 =	sld [smem:$0x3FDB];
	s0 =	simm.s32 @p2 $0x1  }
0x17: {  	s4 =	simm.s32 $0x1BF5;
	[smem:$0x3FB1] =	sst s0  }
0x18: {  	s0 =	sld [smem:$0x3F94];
	_ =	swait.ge [sflag:s4], $0x0  }
0x19: {  	s7 =	sld [smem:$0x3F95]  }
0x1a: {  	s8 =	sadd.s32 $0xFFFFE003, lr  }
0x1b: {  	s9 =	sadd.s32 $0xFFFFFEF7, lr;
	s5 =	simm.s32 $0xFFFFFFFF;
	p2 =	slt.u32 s8, $0xFFFFF086  }
0x1c: {  	p1 =	slt.u32 s9, $0xF7A;
	s5 =	simm.s32 @!p2 $0x0  }
0x1d: {  	s5 =	simm.s32 @p1 $0x1;
	p0 =	seq.s32 s7, s2  }
0x1e: {  	s7 =	smul.u32 @!p0 $0xF7A, s2;
	p2 =	seq.s32 @!p0 s5, $0x0  }
0x1f: {  	s9 =	smul.u32 $0xF7A, s1;
	s8 =	simm.s32 @!p0 $0x1BF5;
	p2 =	por !p2, p0  }
0x20: {  	[sflag:s8] =	ssyncset.s32 @!p0 $0xFFFFF086;
	s6 =	sadd.s32 @!p0 s3, s7;
	s7 =	simm.s32 @!p0 $0x108  }
0x21: {  	s3 =	sadd.s32 s3, s9;
	s6 =	sadd.s32 @!p0 $0x88, s6;
	s7 =	simm.s32 @p2 $0x1082  }
0x22: {  	[simem:s7], [sflag:s8] =	dma.local @!p0 [hbm:s6], $0xF7A  }
0x23: {  	s9 =	sor.u32 $0xD0000000, s2;
	s6 =	simm.s32 $0x108;
	_ =	swait.ge @!p0 [sflag:s8], $0x0  }
0x24: {  	s3 =	sadd.s32 $0x88, s3;
	s6 =	simm.s32 @!p1 $0x1082;
	[sflag:s4] =	ssyncset.s32 $0xFFFFF086  }
0x25: {  	[simem:s6], [sflag:s4] =	dma.local [hbm:s3], $0xF7A  }
0x26: {  	[smem:$0x3F95] =	sst s1;
	(tag) =	ssettag s2;
	_ =	strace s9  }
0x27: {  	s1 =	sld [smem:$0x3FA5]  }
0x28: {  	s2 =	sld [smem:$0x3FA6]  }
0x29: {  	s4 =	sld [smem:$0x3FA8]  }
0x2a: {  	p0 =	seq.s32 s5, $0x0;
	s5 =	sld [smem:$0x3FA9]  }
0x2b: {  	s6 =	sld [smem:$0x3FAA]  }
0x2c: {  	s7 =	sld [smem:$0x3FAB]  }
0x2d: {  	s3 =	simm.s32 $0x108;
	s8 =	sld [smem:$0x3FAC]  }
0x2e: {  	s3 =	simm.s32 @!p0 $0x1082;
	s9 =	sld [smem:$0x3FAD]  }
0x2f: {  	lr =	sadd.s32 s0, s3;
	s0 =	sld [smem:$0x3FA4]  }
0x30: {  	s3 =	sld [smem:$0x3FA7]  }
0x31: {  	[smem:$0x3FB0] =	sst s10  }
0x32: {  	s10 =	sld [smem:$0x3FAE];
	_ =	sdelay $0x3  }
0x33: {  	p0 =	seq.s32 s10, $0x1;
	s10 =	sld [smem:$0x3FB0];
	_ =	sdelay $0x3  }
0x34: {  	[smem:$0x3FB0] =	sst s10  }
0x35: {  	s10 =	sld [smem:$0x3FAF];
	_ =	sdelay $0x3  }
0x36: {  	p1 =	seq.s32 s10, $0x1;
	s10 =	sld [smem:$0x3FB0];
	_ =	sdelay $0x3  }
0x37: {  	[smem:$0x3FB0] =	sst s10  }
0x38: {  	s10 =	sld [smem:$0x3FB1]  }
0x39: {  	_ = 	snop;
	(pc) =	sbr.ind lr, $3  }
0x3a: {  	_ = 	snop  }
0x3b: {  	_ = 	snop  }
0x3c: {  	p2 =	seq.s32 s10, $0x1;
	s10 =	sld [smem:$0x3FB0]  }
0x3d: {  	_ =	shalt  }
0x3e: {  	_ =	shalt  }
0x3f: {  	_ =	shalt  }
0x40: {  	_ =	shalt  }
0x41: {  	_ =	shalt  }
0x42: {  	_ =	shalt  }
0x43: {  	_ =	shalt  }
0x44: {  	_ =	shalt  }
0x45: {  	_ =	shalt  }
0x46: {  	_ =	shalt  }
0x47: {  	_ =	shalt  }
0x48: {  	_ =	shalt  }
0x49: {  	_ =	shalt  }
0x4a: {  	_ =	shalt  }
0x4b: {  	_ =	shalt  }
0x4c: {  	_ =	shalt  }
0x4d: {  	_ =	shalt  }
0x4e: {  	_ =	shalt  }
0x4f: {  	_ =	shalt  }
0x50: {  	_ =	shalt  }
0x51: {  	_ =	shalt  }
0x52: {  	_ =	shalt  }
0x53: {  	_ =	shalt  }
0x54: {  	_ =	shalt  }
0x55: {  	_ =	shalt  }
0x56: {  	_ =	shalt  }
0x57: {  	_ =	shalt  }
0x58: {  	_ =	shalt  }
0x59: {  	_ =	shalt  }
0x5a: {  	_ =	shalt  }
0x5b: {  	_ =	shalt  }
0x5c: {  	_ =	shalt  }
0x5d: {  	_ =	shalt  }
0x5e: {  	_ =	shalt  }
0x5f: {  	_ =	shalt  }
0x60: {  	_ =	shalt  }
0x61: {  	_ =	shalt  }
0x62: {  	_ =	shalt  }
0x63: {  	_ =	shalt  }
0x64: {  	_ =	shalt  }
0x65: {  	_ =	shalt  }
0x66: {  	_ =	shalt  }
0x67: {  	_ =	shalt  }
0x68: {  	_ =	shalt  }
0x69: {  	_ =	shalt  }
0x6a: {  	_ =	shalt  }
0x6b: {  	_ =	shalt  }
0x6c: {  	_ =	shalt  }
0x6d: {  	_ =	shalt  }
0x6e: {  	_ =	shalt  }
0x6f: {  	_ =	shalt  }
0x70: {  	_ =	shalt  }
0x71: {  	_ =	shalt  }
0x72: {  	_ =	shalt  }
0x73: {  	_ =	shalt  }
0x74: {  	_ =	shalt  }
0x75: {  	_ =	shalt  }
0x76: {  	_ =	shalt  }
0x77: {  	_ =	shalt  }
0x78: {  	_ =	shalt  }
0x79: {  	_ =	shalt  }
0x7a: {  	_ =	shalt  }
0x7b: {  	_ =	shalt  }
0x7c: {  	_ =	shalt  }
0x7d: {  	_ =	shalt  }
0x7e: {  	_ =	shalt  }
0x7f: {  	_ =	shalt  }
0x80: {  	_ =	shalt  }
0x81: {  	_ =	shalt  }
0x82: {  	_ =	shalt  }
0x83: {  	_ =	shalt  }
0x84: {  	_ =	shalt  }
0x85: {  	_ =	shalt  }
0x86: {  	_ =	shalt  }
0x87: {  	_ =	shalt  }
.Lfunc_end0:
.L_simem_size_0:
called_computation_lowered:
.L_overlay_start_0:
0x88: {  	s2 =	sld [smem:$0x3FD9]  }
0x89: {  	s3 =	sld [smem:$0x3FFE];
	_ =	sdelay $0x1  }
0x8a: {  	s1 =	srdreg.scid  }
0x8b: {  	s0 =	sand.u32 $0x1, s1  }
0x8c: {  	s17 =	sshll.u32 s0, $0xA;
	s2 =	sadd.s32 s3, s2  }
0x8d: {  	s2 =	sadd.s32 s2, s17  }
0x8e: {  	[smem:$0x3FBC] =	sst s2  }
0x8f: {  	_ = 	snop  }
0x90: {  	s2 =	sld [smem:$0x3FC9];
	(tm) =	ssettm $0x1  }
0x91: {  	s18 =	sld [smem:$0x3FFB];
	_ =	sdelay $0x3  }
0x92: {  	_ =	strace s18  }
0x93: {  	s3 =	sld [smem:$0x3FFC];
	_ =	sdelay $0x3  }
0x94: {  	_ =	strace s3  }
0x95: {  	s3 =	sld [smem:$0x3FFD];
	_ =	sdelay $0x3  }
0x96: {  	_ =	strace s3  }
0x97: {  	_ =	strace $0x8FFFFFFF  }
0x98: {  	s19 =	sld [smem:$0x3FDB];
	_ =	sdelay $0x1  }
0x99: {  	s4 =	simm.s32 $_scs_section_size  }
0x9a: {  	s5 =	simm.s32 $_size__tile_overlayer_lowered;
	s6 =	simm.s32 $_tile_overlayer_lowered  }
0x9b: {  	s22 =	simm.s32 $0x1BFF;
	s21 =	sshll.u32 s6, $0x1;
	s3 =	sadd.s32 s4, s19  }
0x9c: {  	s7 =	simm.s32 $0x0;
	s20 =	sshll.u32 s5, $0x1;
	s5 =	sadd.s32 s21, s3  }
0x9d: {  	[timem:s7], [sflag:s22] =	dma.local [hbm:s5], s20  }
0x9e: {  	_ =	swait.ge [sflag:s22], s20  }
0x9f: {  	s4 =	ssub.s32 $0x0, s20;
	[sflag:s22] =	ssyncset.done $0x0  }
0xa0: {  	[sflag:s22] =	ssyncadd.s32 s4;
	_ =	sdelay $0x1  }
0xa1: {  	s23 =	simm.s32 $0x1B8B  }
0xa2: {  	_ =	swait.ge [sflag:s23], $0x1  }
0xa3: {  	[sflag:s23] =	ssyncset.done $0x0  }
0xa4: {  	s25 =	simm.s32 $0x1B8E;
	s24 =	sld [smem:$0x3FFE];
	[sflag:s23] =	ssyncadd.s32 $0xFFFFFFFF  }
0xa5: {  	s26 =	simm.s32 $execute0_lowered;
	[smem:$0x3FD2] =	sst s25  }
0xa6: {  	s5 =	sshll.u32 s26, $0x1;
	_ =	strace $0x80000046;
	[dreg:$0x1] =	wrdreg $0xFFFFFFFF  }
0xa7: {  	s28 =	simm.s32 $_size_execute0_lowered;
	s3 =	sadd.s32 s3, s5;
	[dreg:$0x0] =	wrdreg $0x0  }
0xa8: {  	s5 =	sshll.u32 s28, $0x1;
	[dreg:$0x2] =	wrdreg s3  }
0xa9: {  	[dreg:$0x3] =	wrdreg s5  }
0xaa: {  	[dreg:$0x4] =	wrdreg $0xC0  }
0xab: {  	_ =	task [dreg:s7], $0x5FFFF  }
0xac: {  	[dreg:$0x1] =	wrdreg $0xFFFFFFFF  }
0xad: {  	[dreg:$0x0] =	wrdreg $0x60  }
0xae: {  	[dreg:$0x2] =	wrdreg s2  }
0xaf: {  	[dreg:$0x3] =	wrdreg s24  }
0xb0: {  	[dreg:$0x4] =	wrdreg $0x9  }
0xb1: {  	_ =	task.clear_ibuf [dreg:s7], $0x5FFFF;
	_ =	strace $0x90000046  }
0xb2: {  	s29 =	simm.s32 $0x9;
	_ =	strace $0x80000048  }
0xb3: {  	_ =	swait.ge [sflag:s29], $0x1  }
0xb4: {  	[sflag:s29] =	ssyncadd.s32 $0xFFFFFFFF  }
0xb5: {  	_ =	strace $0x90000048  }
0xb6: {  	_ =	sfence  }
0xb7: {  	s30 =	sld [smem:$0x0];
	_ =	sdelay $0x2  }
0xb8: {  	s31 =	sshll.u32 s1, $0xD;
	s1 =	sshrl.u32 s1, $0x2  }
0xb9: {  	s3 =	sand.u32 $0x4000, s31;
	s1 =	sadd.s32 s1, s30  }
0xba: {  	s0 =	sor.u32 s3, s0;
	s1 =	sshll.u32 s1, $0x11  }
0xbb: {  	s0 =	sor.u32 s1, s0  }
0xbc: {  	s0 =	sadd.s32 $0x8F2B, s0  }
0xbd: {  	[sflag:s0] =	ssyncadd.remote.s32 $0x1  }
0xbe: {  	_ =	sfence.sel $0xFFFF  }
0xbf: {  	[dreg:$0x0] =	wrdreg $0xFFFFFFFF;
	(pc) =	sbr.abs _section_cstart, $3  }
0xc0: {  	[dreg:$0x1] =	wrdreg $0xFFFFFFFF  }
0xc1: {  	_ =	task.clear_ibuf [dreg:s7], $0x2FFFF;
	_ =	strace $0x9FFFFFFF  }
0xc2: {  	(tm) =	ssettm $0x7FFFFFFF  }
0xc3: {  	_ =	shalt  }
tec
execute0_lowered:
.L_overlay_start_1:
0x0: {  	(tag) =	ssettag $0x1  }
0x1: {  	s1 =	rddreg [dreg:$0x0]  }
0x2: {  	s0 =	rddreg [dreg:$0x1]  }
0x3: {  	s3 =	simm.s32 $0x0;
	s2 =	srdreg.scid;
	s5 =	stileid.u32  }
0x4: {  	s28 =	simm.s32 $0xA800;
	s29 =	simm.s32 $0xB000;
	s30 =	simm.s32 $0xB800  }
0x5: {  	s31 =	simm.s32 $0xC000;
	[smem:$0x7FF] =	sst s3;
	s4 =	sadd.s32 $0x1E00, s0  }
0x6: {  	s2 =	sand.u32 $0x1, s2;
	s5 =	sshll.u32 s5, $0x1;
	s14 =	sadd.s32 $0x2A00, s0  }
0x7: {  	s6 =	sadd.s32 $0x3600, s0;
	s8 =	sadd.s32 $0x1B800, s0;
	s0 =	sadd.s32 $0x3800, s0  }
0x8: {  	_ =	strace $0x80000047;
	[dreg:$0x3] =	wrdreg s4;
	s4 =	sor.u32 s2, s5  }
0x9: {  	s2 =	ssub.s32 $0x2, s2;
	s7 =	sshll.u32 s4, $0x5;
	s9 =	sshll.u32 s4, $0x8  }
0xa: {  	s15 =	sshll.u32 s4, $0x2;
	s21 =	sshll.u32 s4, $0xD;
	s4 =	sshll.u32 s4, $0xA  }
0xb: {  	s10 =	sadd.s32 s14, s7;
	s11 =	sor.u32 $0x2000, s9;
	s13 =	sor.u32 $0x400, s7  }
0xc: {  	s9 =	sor.u32 $0x4000, s9;
	s23 =	sadd.s32 s8, s21;
	[dreg:$0x4] =	wrdreg s10  }
0xd: {  	s7 =	sor.u32 $0x800, s7;
	s4 =	sadd.s32 s0, s4;
	[dreg:$0x1b] =	wrdreg s23  }
0xe: {  	s21 =	sshrl.u32 s2, $0x1;
	s10 =	sadd.s32 s6, s15;
	[dreg:$0xf] =	wrdreg s4  }
0xf: {  	s12 =	sshrl.u32 s11, $0x3;
	s24 =	sadd.s32 $0x1000, s23;
	[dreg:$0x5] =	wrdreg s10  }
0x10: {  	s17 =	sshrl.u32 s13, $0x3;
	s16 =	sadd.s32 s14, s12;
	[dreg:$0xa] =	wrdreg s24  }
0x11: {  	s19 =	sshrl.u32 s9, $0x3;
	s18 =	sadd.s32 s6, s17;
	[dreg:$0x6] =	wrdreg s16  }
0x12: {  	s20 =	sshrl.u32 s7, $0x3;
	s5 =	sadd.s32 s14, s19;
	[dreg:$0x7] =	wrdreg s18  }
0x13: {  	s25 =	sshll.u32 s11, $0x5;
	s22 =	sadd.s32 s6, s20;
	[dreg:$0x8] =	wrdreg s5  }
0x14: {  	s9 =	sshll.u32 s9, $0x5;
	s26 =	sadd.s32 s8, s25;
	[dreg:$0x9] =	wrdreg s22  }
0x15: {  	s2 =	ssub.s32 s2, s21;
	s6 =	sadd.s32 $0x41000, s23;
	[dreg:$0xb] =	wrdreg s26  }
0x16: {  	s11 =	sadd.s32 s8, s9;
	s12 =	sadd.s32 $0x81000, s23;
	[dreg:$0xc] =	wrdreg s6  }
0x17: {  	s14 =	sshll.u32 s13, $0x5;
	s17 =	simm.s32 $0x6000;
	[dreg:$0xd] =	wrdreg s11  }
0x18: {  	s19 =	simm.s32 $0x6100;
	s20 =	simm.s32 $0x6320;
	[dreg:$0xe] =	wrdreg s12  }
0x19: {  	s23 =	simm.s32 $0x6340;
	s24 =	simm.s32 $0x19000;
	[dreg:$0x12] =	wrdreg s17  }
0x1a: {  	s25 =	simm.s32 $0x19800;
	s13 =	simm.s32 $0x2;
	[dreg:$0x14] =	wrdreg s19  }
0x1b: {  	s9 =	simm.s32 $0xF000;
	s10 =	simm.s32 $0xF800;
	[dreg:$0x15] =	wrdreg s20  }
0x1c: {  	s15 =	sadd.s32 s0, s14;
	s16 =	sshll.u32 s7, $0x5;
	[dreg:$0x17] =	wrdreg s23  }
0x1d: {  	s18 =	simm.s32 $0x6300;
	s22 =	simm.s32 $0x6200;
	[dreg:$0x18] =	wrdreg s24  }
0x1e: {  	s5 =	smax.u32 s2, $0x1;
	s6 =	simm.s32 $0x1;
	[dreg:$0x19] =	wrdreg s25  }
0x1f: {  	s26 =	simm.s32 $0x1A000;
	s14 =	simm.s32 $0x4;
	s23 =	simm.s32 $0x6800  }
0x20: {  	s24 =	simm.s32 $0x9000;
	s25 =	simm.s32 $0x9800;
	[dreg:$0x10] =	wrdreg s15  }
0x21: {  	s11 =	simm.s32 $0x10000;
	s12 =	simm.s32 $0x10800;
	[dreg:$0x13] =	wrdreg s18  }
0x22: {  	v2 =	vlaneseq.u32;
	s17 =	simm.s32 $0x11000;
	s0 =	sadd.s32 s0, s16;
	[dreg:$0x16] =	wrdreg s22  }
0x23: {  	vm0 =	vmmov $0xffff;
	v1 =	vshrl.u32 v2, $0x3;
	[dreg:$0x1a] =	wrdreg s26;
	s15 =	simm.s32 $0x3;
	s16 =	simm.s32 $0x5  }
0x24: {  	v0 =	vand.u32 $0x7, v2;
	v2 =	vor.u32 $0x8, v2;
	v1 =	vmul.u32 $0x8, v1;
	s22 =	simm.s32 $0x8800;
	s26 =	simm.s32 $0xA000;
	[dreg:$0x11] =	wrdreg s0  }
.LBB2_1:
0x25: {  	s18 =	rddreg [dreg:$0x3]  }
0x26: {  	s8 =	rddreg [dreg:$0x4]  }
0x27: {  	s19 =	rddreg [dreg:$0x12]  }
0x28: {  	s20 =	rddreg [dreg:$0x5]  }
0x29: {  	s21 =	rddreg [dreg:$0x13]  }
0x2a: {  	s0 =	rddreg [dreg:$0x15]  }
0x2b: {  	s2 =	rddreg [dreg:$0x8]  }
0x2c: {  	[tilespmem:s3], [sflag:$0x1] =	stream.linear.gather [hbm4b:s18+s3], $0x6000, $0x38;
	[tilespmem:$0x1A800] =	vst v63  }
0x2d: {  	s4 =	rddreg [dreg:$0x16]  }
0x2e: {  	[tilespmem:s19], [sflag:$0x1] =	stream.linear.gather [hbm4b:s8+s3], $0x100, $0x38;
	[tilespmem:$0x1A800] =	vst v63  }
0x2f: {  	s19 =	rddreg [dreg:$0x6]  }
0x30: {  	[tilespmem:s21], [sflag:$0x1] =	stream.linear.gather [hbm4b:s20+s3], $0x20, $0x38;
	[tilespmem:$0x1A800] =	vst v63  }
0x31: {  	s20 =	rddreg [dreg:$0x14]  }
0x32: {  	[tilespmem:s20], [sflag:$0x1] =	stream.linear.gather [hbm4b:s19+s3], $0x100, $0x38;
	[tilespmem:$0x1A800] =	vst v63  }
0x33: {  	s21 =	rddreg [dreg:$0x7]  }
0x34: {  	[tilespmem:s0], [sflag:$0x1] =	stream.linear.gather [hbm4b:s21+s3], $0x20, $0x38;
	[tilespmem:$0x1A800] =	vst v63  }
0x35: {  	s7 =	rddreg [dreg:$0x9]  }
0x36: {  	[tilespmem:s4], [sflag:$0x1] =	stream.linear.gather [hbm4b:s2+s3], $0x100, $0x38;
	[tilespmem:$0x1A800] =	vst v63  }
0x37: {  	s8 =	rddreg [dreg:$0x17]  }
0x38: {  	[tilespmem:s8], [sflag:$0x1] =	stream.linear.gather [hbm4b:s7+s3], $0x20, $0x38;
	[tilespmem:$0x1A800] =	vst v63  }
0x39: {  	_ =	swait.ge [sflag:s6], $0x6000  }
0x3a: {  	[sflag:s6] =	ssyncset.done $0x0  }
0x3b: {  	[sflag:s6] =	ssyncadd.s32 $0xFFFFA000  }
0x3c: {  	_ =	swait.ge [sflag:s6], $0x100  }
0x3d: {  	[sflag:s6] =	ssyncset.done $0x0  }
0x3e: {  	[sflag:s6] =	ssyncadd.s32 $0xFFFFFF00  }
0x3f: {  	_ =	swait.ge [sflag:s6], $0x20  }
0x40: {  	[sflag:s6] =	ssyncset.done $0x0  }
0x41: {  	[sflag:s6] =	ssyncadd.s32 $0xFFFFFFE0  }
0x42: {  	_ =	swait.ge [sflag:s6], $0x100  }
0x43: {  	[sflag:s6] =	ssyncset.done $0x0  }
0x44: {  	[sflag:s6] =	ssyncadd.s32 $0xFFFFFF00  }
0x45: {  	_ =	swait.ge [sflag:s6], $0x20  }
0x46: {  	[sflag:s6] =	ssyncset.done $0x0  }
0x47: {  	[sflag:s6] =	ssyncadd.s32 $0xFFFFFFE0  }
0x48: {  	_ =	swait.ge [sflag:s6], $0x100  }
0x49: {  	[sflag:s6] =	ssyncset.done $0x0  }
0x4a: {  	[sflag:s6] =	ssyncadd.s32 $0xFFFFFF00  }
0x4b: {  	_ =	swait.ge [sflag:s6], $0x20  }
0x4c: {  	[sflag:s6] =	ssyncset.done $0x0  }
0x4d: {  	[sflag:s6] =	ssyncadd.s32 $0xFFFFFFE0  }
0x4e: {  	v3 =	vld [tilespmem:$0x6000];
	_ =	sdelay $0x5  }
0x4f: {  	v4 =	vld [tilespmem:$0x6010];
	_ =	sdelay $0x1  }
0x50: {  	v3 =	vld.idx.msk [tilespmem:v3+s3+$0x0], $0xffff;
	_ =	sdelay $0x3  }
0x51: {  	v5 =	vld [tilespmem:$0x6020]  }
0x52: {  	[tilespmem:$0x6380] =	vst v3  }
0x53: {  	v3 =	vld.idx.msk [tilespmem:v4+s3+$0x0], $0xffff;
	_ =	sdelay $0x3  }
0x54: {  	v34 =	vld [tilespmem:$0x6030]  }
0x55: {  	[tilespmem:$0x6390] =	vst v3  }
0x56: {  	v3 =	vld.idx.msk [tilespmem:v5+s3+$0x0], $0xffff;
	_ =	sdelay $0x3  }
0x57: {  	v35 =	vld [tilespmem:$0x6040]  }
0x58: {  	[tilespmem:$0x63A0] =	vst v3  }
0x59: {  	v3 =	vld.idx.msk [tilespmem:v34+s3+$0x0], $0xffff;
	_ =	sdelay $0x3  }
0x5a: {  	v36 =	vld [tilespmem:$0x6050]  }
0x5b: {  	[tilespmem:$0x63B0] =	vst v3  }
0x5c: {  	v3 =	vld.idx.msk [tilespmem:v35+s3+$0x0], $0xffff;
	_ =	sdelay $0x3  }
0x5d: {  	v37 =	vld [tilespmem:$0x6060]  }
0x5e: {  	[tilespmem:$0x63C0] =	vst v3  }
0x5f: {  	v3 =	vld.idx.msk [tilespmem:v36+s3+$0x0], $0xffff;
	_ =	sdelay $0x3  }
0x60: {  	v38 =	vld [tilespmem:$0x6070]  }
0x61: {  	[tilespmem:$0x63D0] =	vst v3  }
0x62: {  	v3 =	vld.idx.msk [tilespmem:v37+s3+$0x0], $0xffff;
	_ =	sdelay $0x3  }
0x63: {  	v39 =	vld [tilespmem:$0x6080]  }
0x64: {  	[tilespmem:$0x63E0] =	vst v3  }
0x65: {  	v3 =	vld.idx.msk [tilespmem:v38+s3+$0x0], $0xffff;
	_ =	sdelay $0x3  }
0x66: {  	v40 =	vld [tilespmem:$0x6090]  }
0x67: {  	[tilespmem:$0x63F0] =	vst v3  }
0x68: {  	v3 =	vld.idx.msk [tilespmem:v39+s3+$0x0], $0xffff;
	_ =	sdelay $0x3  }
0x69: {  	v41 =	vld [tilespmem:$0x60A0]  }
0x6a: {  	[tilespmem:$0x6400] =	vst v3  }
0x6b: {  	v3 =	vld.idx.msk [tilespmem:v40+s3+$0x0], $0xffff;
	_ =	sdelay $0x3  }
0x6c: {  	v42 =	vld [tilespmem:$0x60B0]  }
0x6d: {  	[tilespmem:$0x6410] =	vst v3  }
0x6e: {  	v3 =	vld.idx.msk [tilespmem:v41+s3+$0x0], $0xffff;
	_ =	sdelay $0x3  }
0x6f: {  	v43 =	vld [tilespmem:$0x60C0]  }
0x70: {  	[tilespmem:$0x6420] =	vst v3  }
0x71: {  	v3 =	vld.idx.msk [tilespmem:v42+s3+$0x0], $0xffff;
	_ =	sdelay $0x3  }
0x72: {  	v44 =	vld [tilespmem:$0x60D0]  }
0x73: {  	[tilespmem:$0x6430] =	vst v3  }
0x74: {  	v3 =	vld.idx.msk [tilespmem:v43+s3+$0x0], $0xffff;
	_ =	sdelay $0x3  }
0x75: {  	v45 =	vld [tilespmem:$0x60E0]  }
0x76: {  	[tilespmem:$0x6440] =	vst v3  }
0x77: {  	v3 =	vld.idx.msk [tilespmem:v44+s3+$0x0], $0xffff;
	_ =	sdelay $0x3  }
0x78: {  	v46 =	vld [tilespmem:$0x60F0]  }
0x79: {  	[tilespmem:$0x6450] =	vst v3  }
0x7a: {  	v3 =	vld.idx.msk [tilespmem:v45+s3+$0x0], $0xffff;
	_ =	sdelay $0x3  }
0x7b: {  	v47 =	vld [tilespmem:$0x6300]  }
0x7c: {  	[tilespmem:$0x6460] =	vst v3  }
0x7d: {  	v3 =	vld.idx.msk [tilespmem:v46+s3+$0x0], $0xffff;
	_ =	sdelay $0x3  }
0x7e: {  	v48 =	vld [tilespmem:$0x6310]  }
0x7f: {  	[tilespmem:$0x6470] =	vst v3  }
0x80: {  	v3 =	vld.idx.msk [tilespmem:v47+s3+$0x0], $0xffff;
	_ =	sdelay $0x1  }
0x81: {  	v49 =	vld [tilespmem:$0x6100];
	_ =	sdelay $0x2  }
0x82: {  	[tilespmem:$0x6680] =	vst v3  }
0x83: {  	v3 =	vld.idx.msk [tilespmem:v48+s3+$0x0], $0xffff  }
0x84: {  	v50 =	vadd.s32 $0x2000, v49  }
0x85: {  	v51 =	vld [tilespmem:$0x6110];
	_ =	sdelay $0x2  }
0x86: {  	[tilespmem:$0x6690] =	vst v3  }
0x87: {  	v3 =	vld.idx.msk [tilespmem:v50+s3+$0x0], $0xffff  }
0x88: {  	v52 =	vadd.s32 $0x2000, v51  }
0x89: {  	v53 =	vld [tilespmem:$0x6120];
	_ =	sdelay $0x2  }
0x8a: {  	[tilespmem:$0x6480] =	vst v3  }
0x8b: {  	v3 =	vld.idx.msk [tilespmem:v52+s3+$0x0], $0xffff  }
0x8c: {  	v54 =	vadd.s32 $0x2000, v53  }
0x8d: {  	v55 =	vld [tilespmem:$0x6130];
	_ =	sdelay $0x2  }
0x8e: {  	[tilespmem:$0x6490] =	vst v3  }
0x8f: {  	v3 =	vld.idx.msk [tilespmem:v54+s3+$0x0], $0xffff  }
0x90: {  	v56 =	vadd.s32 $0x2000, v55  }
0x91: {  	v57 =	vld [tilespmem:$0x6140];
	_ =	sdelay $0x2  }
0x92: {  	[tilespmem:$0x64A0] =	vst v3  }
0x93: {  	v3 =	vld.idx.msk [tilespmem:v56+s3+$0x0], $0xffff  }
0x94: {  	v58 =	vadd.s32 $0x2000, v57  }
0x95: {  	v59 =	vld [tilespmem:$0x6150];
	_ =	sdelay $0x2  }
0x96: {  	[tilespmem:$0x64B0] =	vst v3  }
0x97: {  	v3 =	vld.idx.msk [tilespmem:v58+s3+$0x0], $0xffff  }
0x98: {  	v60 =	vadd.s32 $0x2000, v59  }
0x99: {  	v61 =	vld [tilespmem:$0x6160];
	_ =	sdelay $0x2  }
0x9a: {  	[tilespmem:$0x64C0] =	vst v3  }
0x9b: {  	v3 =	vld.idx.msk [tilespmem:v60+s3+$0x0], $0xffff  }
0x9c: {  	v62 =	vadd.s32 $0x2000, v61  }
0x9d: {  	v63 =	vld [tilespmem:$0x6170];
	_ =	sdelay $0x2  }
0x9e: {  	[tilespmem:$0x64D0] =	vst v3  }
0x9f: {  	v3 =	vld.idx.msk [tilespmem:v62+s3+$0x0], $0xffff  }
0xa0: {  	v8 =	vadd.s32 $0x2000, v63  }
0xa1: {  	v9 =	vld [tilespmem:$0x6180];
	_ =	sdelay $0x2  }
0xa2: {  	[tilespmem:$0x64E0] =	vst v3  }
0xa3: {  	v3 =	vld.idx.msk [tilespmem:v8+s3+$0x0], $0xffff  }
0xa4: {  	v10 =	vadd.s32 $0x2000, v9  }
0xa5: {  	v11 =	vld [tilespmem:$0x6190];
	_ =	sdelay $0x2  }
0xa6: {  	[tilespmem:$0x64F0] =	vst v3  }
0xa7: {  	v3 =	vld.idx.msk [tilespmem:v10+s3+$0x0], $0xffff  }
0xa8: {  	v12 =	vadd.s32 $0x2000, v11  }
0xa9: {  	v13 =	vld [tilespmem:$0x61A0];
	_ =	sdelay $0x2  }
0xaa: {  	[tilespmem:$0x6500] =	vst v3  }
0xab: {  	v3 =	vld.idx.msk [tilespmem:v12+s3+$0x0], $0xffff  }
0xac: {  	v14 =	vadd.s32 $0x2000, v13  }
0xad: {  	v15 =	vld [tilespmem:$0x61B0];
	_ =	sdelay $0x2  }
0xae: {  	[tilespmem:$0x6510] =	vst v3  }
0xaf: {  	v3 =	vld.idx.msk [tilespmem:v14+s3+$0x0], $0xffff  }
0xb0: {  	v16 =	vadd.s32 $0x2000, v15  }
0xb1: {  	v17 =	vld [tilespmem:$0x61C0];
	_ =	sdelay $0x2  }
0xb2: {  	[tilespmem:$0x6520] =	vst v3  }
0xb3: {  	v3 =	vld.idx.msk [tilespmem:v16+s3+$0x0], $0xffff  }
0xb4: {  	v18 =	vadd.s32 $0x2000, v17  }
0xb5: {  	v19 =	vld [tilespmem:$0x61D0];
	_ =	sdelay $0x2  }
0xb6: {  	[tilespmem:$0x6530] =	vst v3  }
0xb7: {  	v3 =	vld.idx.msk [tilespmem:v18+s3+$0x0], $0xffff  }
0xb8: {  	v20 =	vadd.s32 $0x2000, v19  }
0xb9: {  	v21 =	vld [tilespmem:$0x61E0];
	_ =	sdelay $0x2  }
0xba: {  	[tilespmem:$0x6540] =	vst v3  }
0xbb: {  	v3 =	vld.idx.msk [tilespmem:v20+s3+$0x0], $0xffff  }
0xbc: {  	v22 =	vadd.s32 $0x2000, v21  }
0xbd: {  	v23 =	vld [tilespmem:$0x61F0];
	_ =	sdelay $0x2  }
0xbe: {  	[tilespmem:$0x6550] =	vst v3  }
0xbf: {  	v3 =	vld.idx.msk [tilespmem:v22+s3+$0x0], $0xffff  }
0xc0: {  	v24 =	vadd.s32 $0x2000, v23  }
0xc1: {  	v25 =	vld [tilespmem:$0x6320];
	_ =	sdelay $0x2  }
0xc2: {  	[tilespmem:$0x6560] =	vst v3  }
0xc3: {  	v3 =	vld.idx.msk [tilespmem:v24+s3+$0x0], $0xffff  }
0xc4: {  	v26 =	vadd.s32 $0x2000, v25  }
0xc5: {  	v27 =	vld [tilespmem:$0x6330];
	_ =	sdelay $0x2  }
0xc6: {  	[tilespmem:$0x6570] =	vst v3  }
0xc7: {  	v3 =	vld.idx.msk [tilespmem:v26+s3+$0x0], $0xffff  }
0xc8: {  	v28 =	vadd.s32 $0x2000, v27  }
0xc9: {  	v29 =	vld [tilespmem:$0x6200];
	_ =	sdelay $0x2  }
0xca: {  	[tilespmem:$0x6700] =	vst v3  }
0xcb: {  	v3 =	vld.idx.msk [tilespmem:v28+s3+$0x0], $0xffff  }
0xcc: {  	v30 =	vadd.s32 $0x4000, v29  }
0xcd: {  	v31 =	vld [tilespmem:$0x6210];
	_ =	sdelay $0x2  }
0xce: {  	[tilespmem:$0x6710] =	vst v3  }
0xcf: {  	v3 =	vld.idx.msk [tilespmem:v30+s3+$0x0], $0xffff  }
0xd0: {  	v32 =	vadd.s32 $0x4000, v31  }
0xd1: {  	v33 =	vld [tilespmem:$0x6220];
	_ =	sdelay $0x2  }
0xd2: {  	[tilespmem:$0x6580] =	vst v3  }
0xd3: {  	v3 =	vld.idx.msk [tilespmem:v32+s3+$0x0], $0xffff  }
0xd4: {  	v34 =	vadd.s32 $0x4000, v33  }
0xd5: {  	v35 =	vld [tilespmem:$0x6230];
	_ =	sdelay $0x2  }
0xd6: {  	[tilespmem:$0x6590] =	vst v3  }
0xd7: {  	v3 =	vld.idx.msk [tilespmem:v34+s3+$0x0], $0xffff  }
0xd8: {  	v36 =	vadd.s32 $0x4000, v35  }
0xd9: {  	v37 =	vld [tilespmem:$0x6240];
	_ =	sdelay $0x2  }
0xda: {  	[tilespmem:$0x65A0] =	vst v3  }
0xdb: {  	v3 =	vld.idx.msk [tilespmem:v36+s3+$0x0], $0xffff  }
0xdc: {  	v38 =	vadd.s32 $0x4000, v37  }
0xdd: {  	v39 =	vld [tilespmem:$0x6250];
	_ =	sdelay $0x2  }
0xde: {  	[tilespmem:$0x65B0] =	vst v3  }
0xdf: {  	v3 =	vld.idx.msk [tilespmem:v38+s3+$0x0], $0xffff  }
0xe0: {  	v40 =	vadd.s32 $0x4000, v39  }
0xe1: {  	v41 =	vld [tilespmem:$0x6260];
	_ =	sdelay $0x2  }
0xe2: {  	[tilespmem:$0x65C0] =	vst v3  }
0xe3: {  	v3 =	vld.idx.msk [tilespmem:v40+s3+$0x0], $0xffff  }
0xe4: {  	v42 =	vadd.s32 $0x4000, v41  }
0xe5: {  	v43 =	vld [tilespmem:$0x6270];
	_ =	sdelay $0x2  }
0xe6: {  	[tilespmem:$0x65D0] =	vst v3  }
0xe7: {  	v3 =	vld.idx.msk [tilespmem:v42+s3+$0x0], $0xffff  }
0xe8: {  	v44 =	vadd.s32 $0x4000, v43  }
0xe9: {  	v45 =	vld [tilespmem:$0x6280];
	_ =	sdelay $0x2  }
0xea: {  	[tilespmem:$0x65E0] =	vst v3  }
0xeb: {  	v3 =	vld.idx.msk [tilespmem:v44+s3+$0x0], $0xffff  }
0xec: {  	v46 =	vadd.s32 $0x4000, v45  }
0xed: {  	v47 =	vld [tilespmem:$0x6290];
	_ =	sdelay $0x2  }
0xee: {  	[tilespmem:$0x65F0] =	vst v3  }
0xef: {  	v3 =	vld.idx.msk [tilespmem:v46+s3+$0x0], $0xffff  }
0xf0: {  	v48 =	vadd.s32 $0x4000, v47  }
0xf1: {  	v49 =	vld [tilespmem:$0x62A0];
	_ =	sdelay $0x2  }
0xf2: {  	[tilespmem:$0x6600] =	vst v3  }
0xf3: {  	v3 =	vld.idx.msk [tilespmem:v48+s3+$0x0], $0xffff  }
0xf4: {  	v50 =	vadd.s32 $0x4000, v49  }
0xf5: {  	v51 =	vld [tilespmem:$0x62B0];
	_ =	sdelay $0x2  }
0xf6: {  	[tilespmem:$0x6610] =	vst v3  }
0xf7: {  	v3 =	vld.idx.msk [tilespmem:v50+s3+$0x0], $0xffff  }
0xf8: {  	v52 =	vadd.s32 $0x4000, v51  }
0xf9: {  	v53 =	vld [tilespmem:$0x62C0];
	_ =	sdelay $0x2  }
0xfa: {  	[tilespmem:$0x6620] =	vst v3  }
0xfb: {  	v3 =	vld.idx.msk [tilespmem:v52+s3+$0x0], $0xffff  }
0xfc: {  	v54 =	vadd.s32 $0x4000, v53  }
0xfd: {  	v55 =	vld [tilespmem:$0x62D0];
	_ =	sdelay $0x2  }
0xfe: {  	[tilespmem:$0x6630] =	vst v3  }
0xff: {  	v3 =	vld.idx.msk [tilespmem:v54+s3+$0x0], $0xffff  }
0x100: {  	v56 =	vadd.s32 $0x4000, v55  }
0x101: {  	v57 =	vld [tilespmem:$0x62E0];
	_ =	sdelay $0x2  }
0x102: {  	[tilespmem:$0x6640] =	vst v3  }
0x103: {  	v3 =	vld.idx.msk [tilespmem:v56+s3+$0x0], $0xffff  }
0x104: {  	v58 =	vadd.s32 $0x4000, v57  }
0x105: {  	v59 =	vld [tilespmem:$0x62F0];
	_ =	sdelay $0x2  }
0x106: {  	[tilespmem:$0x6650] =	vst v3  }
0x107: {  	v3 =	vld.idx.msk [tilespmem:v58+s3+$0x0], $0xffff  }
0x108: {  	v60 =	vadd.s32 $0x4000, v59  }
0x109: {  	v61 =	vld [tilespmem:$0x6340];
	_ =	sdelay $0x2  }
0x10a: {  	[tilespmem:$0x6660] =	vst v3  }
0x10b: {  	v3 =	vld.idx.msk [tilespmem:v60+s3+$0x0], $0xffff  }
0x10c: {  	v62 =	vadd.s32 $0x4000, v61  }
0x10d: {  	v63 =	vld [tilespmem:$0x6350]  }
0x10e: {  	v6 =	vld [tilespmem:$0x6380];
	_ =	sdelay $0x1  }
0x10f: {  	[tilespmem:$0x6670] =	vst v3  }
0x110: {  	v3 =	vld.idx.msk [tilespmem:v62+s3+$0x0], $0xffff  }
0x111: {  	v9 =	vadd.s32 $0x4000, v63  }
0x112: {  	v10 =	vshll.u32 v6, $0x1  }
0x113: {  	v6 =	vand.u32 $0x7, v6;
	v5 =	vand.u32 $0xFFFFFFF0, v10  }
0x114: {  	v5 =	vor.u32 v6, v5  }
0x115: {  	[tilespmem:$0x6780] =	vst v3;
	v3 =	vperm.xlane v5, v0  }
0x116: {  	v4 =	vld.idx.msk [tilespmem:v9+s3+$0x0], $0xffff  }
0x117: {  	v5 =	vperm.xlane v5, v2;
	v3 =	vadd.s32 v1, v3;
	_ =	sdelay $0x1  }
0x118: {  	v5 =	vadd.s32 v1, v5;
	_ =	sdelay $0x1  }
0x119: {  	[tilespmem:$0x6790] =	vst v4  }
0x11a: {  	[tilespmem:s23], [sflag:$0x2] =	stream.indirect_vreg.gather [hbm4b:s1+s3], $0x80, v3, vm0, $0xb8;
	[tilespmem:$0x1A800] =	vst v63  }
0x11b: {  	s19 =	simm.s32 $0x7000  }
0x11c: {  	[tilespmem:s19], [sflag:$0x2] =	stream.indirect_vreg.gather [hbm4b:s1+s3], $0x80, v5, vm0, $0xb8;
	[tilespmem:$0x1A800] =	vst v63  }
0x11d: {  	v3 =	vld [tilespmem:$0x6390];
	_ =	sdelay $0x4  }
0x11e: {  	v11 =	vshll.u32 v3, $0x1  }
0x11f: {  	v3 =	vand.u32 $0x7, v3;
	v4 =	vand.u32 $0xFFFFFFF0, v11  }
0x120: {  	v3 =	vor.u32 v3, v4  }
0x121: {  	v4 =	vperm.xlane v3, v0;
	_ =	sdelay $0x1  }
0x122: {  	v3 =	vperm.xlane v3, v2;
	v4 =	vadd.s32 v1, v4;
	_ =	sdelay $0x1  }
0x123: {  	v3 =	vadd.s32 v1, v3;
	_ =	sdelay $0x1  }
0x124: {  	s20 =	simm.s32 $0x7800  }
0x125: {  	[tilespmem:s20], [sflag:$0x2] =	stream.indirect_vreg.gather [hbm4b:s1+s3], $0x80, v4, vm0, $0xb8;
	[tilespmem:$0x1A800] =	vst v63  }
0x126: {  	s21 =	simm.s32 $0x8000  }
0x127: {  	[tilespmem:s21], [sflag:$0x2] =	stream.indirect_vreg.gather [hbm4b:s1+s3], $0x80, v3, vm0, $0xb8;
	[tilespmem:$0x1A800] =	vst v63  }
0x128: {  	v3 =	vld [tilespmem:$0x63A0];
	_ =	sdelay $0x4  }
0x129: {  	v12 =	vshll.u32 v3, $0x1  }
0x12a: {  	v3 =	vand.u32 $0x7, v3;
	v4 =	vand.u32 $0xFFFFFFF0, v12  }
0x12b: {  	v3 =	vor.u32 v3, v4  }
0x12c: {  	v4 =	vperm.xlane v3, v0;
	_ =	sdelay $0x1  }
0x12d: {  	v3 =	vperm.xlane v3, v2;
	v4 =	vadd.s32 v1, v4;
	_ =	sdelay $0x1  }
0x12e: {  	v3 =	vadd.s32 v1, v3;
	_ =	sdelay $0x2  }
0x12f: {  	[tilespmem:s22], [sflag:$0x2] =	stream.indirect_vreg.gather [hbm4b:s1+s3], $0x80, v4, vm0, $0xb8;
	[tilespmem:$0x1A800] =	vst v63  }
0x130: {  	_ = 	snop  }
0x131: {  	[tilespmem:s24], [sflag:$0x2] =	stream.indirect_vreg.gather [hbm4b:s1+s3], $0x80, v3, vm0, $0xb8;
	[tilespmem:$0x1A800] =	vst v63  }
0x132: {  	v3 =	vld [tilespmem:$0x63B0];
	_ =	sdelay $0x4  }
0x133: {  	v13 =	vshll.u32 v3, $0x1  }
0x134: {  	v3 =	vand.u32 $0x7, v3;
	v4 =	vand.u32 $0xFFFFFFF0, v13  }
0x135: {  	v3 =	vor.u32 v3, v4  }
0x136: {  	v4 =	vperm.xlane v3, v0;
	_ =	sdelay $0x1  }
0x137: {  	v3 =	vperm.xlane v3, v2;
	v4 =	vadd.s32 v1, v4;
	_ =	sdelay $0x1  }
0x138: {  	v3 =	vadd.s32 v1, v3;
	_ =	sdelay $0x2  }
0x139: {  	[tilespmem:s25], [sflag:$0x2] =	stream.indirect_vreg.gather [hbm4b:s1+s3], $0x80, v4, vm0, $0xb8;
	[tilespmem:$0x1A800] =	vst v63  }
0x13a: {  	_ = 	snop  }
0x13b: {  	[tilespmem:s26], [sflag:$0x2] =	stream.indirect_vreg.gather [hbm4b:s1+s3], $0x80, v3, vm0, $0xb8;
	[tilespmem:$0x1A800] =	vst v63  }
0x13c: {  	v3 =	vld [tilespmem:$0x63C0];
	_ =	sdelay $0x4  }
0x13d: {  	v14 =	vshll.u32 v3, $0x1  }
0x13e: {  	v3 =	vand.u32 $0x7, v3;
	v4 =	vand.u32 $0xFFFFFFF0, v14  }
0x13f: {  	v3 =	vor.u32 v3, v4  }
0x140: {  	v4 =	vperm.xlane v3, v0;
	_ =	sdelay $0x1  }
0x141: {  	v3 =	vperm.xlane v3, v2;
	v4 =	vadd.s32 v1, v4;
	_ =	sdelay $0x1  }
0x142: {  	v3 =	vadd.s32 v1, v3;
	_ =	sdelay $0x2  }
0x143: {  	[tilespmem:s28], [sflag:$0x2] =	stream.indirect_vreg.gather [hbm4b:s1+s3], $0x80, v4, vm0, $0xb8;
	[tilespmem:$0x1A800] =	vst v63  }
0x144: {  	_ = 	snop  }
0x145: {  	[tilespmem:s29], [sflag:$0x2] =	stream.indirect_vreg.gather [hbm4b:s1+s3], $0x80, v3, vm0, $0xb8;
	[tilespmem:$0x1A800] =	vst v63  }
0x146: {  	v3 =	vld [tilespmem:$0x63D0];
	_ =	sdelay $0x4  }
0x147: {  	v15 =	vshll.u32 v3, $0x1  }
0x148: {  	v3 =	vand.u32 $0x7, v3;
	v4 =	vand.u32 $0xFFFFFFF0, v15  }
0x149: {  	v3 =	vor.u32 v3, v4  }
0x14a: {  	v4 =	vperm.xlane v3, v0;
	_ =	sdelay $0x1  }
0x14b: {  	v3 =	vperm.xlane v3, v2;
	v4 =	vadd.s32 v1, v4;
	_ =	sdelay $0x1  }
0x14c: {  	v3 =	vadd.s32 v1, v3;
	_ =	sdelay $0x2  }
0x14d: {  	[tilespmem:s30], [sflag:$0x2] =	stream.indirect_vreg.gather [hbm4b:s1+s3], $0x80, v4, vm0, $0xb8;
	[tilespmem:$0x1A800] =	vst v63  }
0x14e: {  	_ = 	snop  }
0x14f: {  	[tilespmem:s31], [sflag:$0x2] =	stream.indirect_vreg.gather [hbm4b:s1+s3], $0x80, v3, vm0, $0xb8;
	[tilespmem:$0x1A800] =	vst v63  }
0x150: {  	v3 =	vld [tilespmem:$0x63E0];
	_ =	sdelay $0x4  }
0x151: {  	v16 =	vshll.u32 v3, $0x1  }
0x152: {  	v3 =	vand.u32 $0x7, v3;
	v4 =	vand.u32 $0xFFFFFFF0, v16  }
0x153: {  	v3 =	vor.u32 v3, v4  }
0x154: {  	v4 =	vperm.xlane v3, v0;
	_ =	sdelay $0x1  }
0x155: {  	v3 =	vperm.xlane v3, v2;
	v4 =	vadd.s32 v1, v4;
	_ =	sdelay $0x1  }
0x156: {  	v3 =	vadd.s32 v1, v3;
	_ =	sdelay $0x1  }
0x157: {  	s7 =	simm.s32 $0xC800  }
0x158: {  	[tilespmem:s7], [sflag:$0x2] =	stream.indirect_vreg.gather [hbm4b:s1+s3], $0x80, v4, vm0, $0xb8;
	[tilespmem:$0x1A800] =	vst v63  }
0x159: {  	s2 =	simm.s32 $0xD000  }
0x15a: {  	[tilespmem:s2], [sflag:$0x2] =	stream.indirect_vreg.gather [hbm4b:s1+s3], $0x80, v3, vm0, $0xb8;
	[tilespmem:$0x1A800] =	vst v63  }
0x15b: {  	v3 =	vld [tilespmem:$0x63F0];
	_ =	sdelay $0x4  }
0x15c: {  	v17 =	vshll.u32 v3, $0x1  }
0x15d: {  	v3 =	vand.u32 $0x7, v3;
	v4 =	vand.u32 $0xFFFFFFF0, v17  }
0x15e: {  	v3 =	vor.u32 v3, v4  }
0x15f: {  	v4 =	vperm.xlane v3, v0;
	_ =	sdelay $0x1  }
0x160: {  	v3 =	vperm.xlane v3, v2;
	v4 =	vadd.s32 v1, v4;
	_ =	sdelay $0x1  }
0x161: {  	v3 =	vadd.s32 v1, v3;
	_ =	sdelay $0x1  }
0x162: {  	s4 =	simm.s32 $0xD800  }
0x163: {  	[tilespmem:s4], [sflag:$0x2] =	stream.indirect_vreg.gather [hbm4b:s1+s3], $0x80, v4, vm0, $0xb8;
	[tilespmem:$0x1A800] =	vst v63  }
0x164: {  	s8 =	simm.s32 $0xE000  }
0x165: {  	[tilespmem:s8], [sflag:$0x2] =	stream.indirect_vreg.gather [hbm4b:s1+s3], $0x80, v3, vm0, $0xb8;
	[tilespmem:$0x1A800] =	vst v63  }
0x166: {  	v3 =	vld [tilespmem:$0x6400];
	_ =	sdelay $0x4  }
0x167: {  	v18 =	vshll.u32 v3, $0x1  }
0x168: {  	v3 =	vand.u32 $0x7, v3;
	v4 =	vand.u32 $0xFFFFFFF0, v18  }
0x169: {  	v3 =	vor.u32 v3, v4  }
0x16a: {  	v4 =	vperm.xlane v3, v0;
	_ =	sdelay $0x1  }
0x16b: {  	v3 =	vperm.xlane v3, v2;
	v4 =	vadd.s32 v1, v4;
	_ =	sdelay $0x1  }
0x16c: {  	v3 =	vadd.s32 v1, v3;
	_ =	sdelay $0x1  }
0x16d: {  	s0 =	simm.s32 $0xE800  }
0x16e: {  	[tilespmem:s0], [sflag:$0x3] =	stream.indirect_vreg.gather [hbm4b:s1+s3], $0x80, v4, vm0, $0xb8;
	[tilespmem:$0x1A800] =	vst v63  }
0x16f: {  	_ = 	snop  }
0x170: {  	[tilespmem:s9], [sflag:$0x3] =	stream.indirect_vreg.gather [hbm4b:s1+s3], $0x80, v3, vm0, $0xb8;
	[tilespmem:$0x1A800] =	vst v63  }
0x171: {  	v3 =	vld [tilespmem:$0x6410];
	_ =	sdelay $0x4  }
0x172: {  	v19 =	vshll.u32 v3, $0x1  }
0x173: {  	v3 =	vand.u32 $0x7, v3;
	v4 =	vand.u32 $0xFFFFFFF0, v19  }
0x174: {  	v3 =	vor.u32 v3, v4  }
0x175: {  	v4 =	vperm.xlane v3, v0;
	_ =	sdelay $0x1  }
0x176: {  	v3 =	vperm.xlane v3, v2;
	v4 =	vadd.s32 v1, v4;
	_ =	sdelay $0x1  }
0x177: {  	v3 =	vadd.s32 v1, v3;
	_ =	sdelay $0x2  }
0x178: {  	[tilespmem:s10], [sflag:$0x3] =	stream.indirect_vreg.gather [hbm4b:s1+s3], $0x80, v4, vm0, $0xb8;
	[tilespmem:$0x1A800] =	vst v63  }
0x179: {  	_ = 	snop  }
0x17a: {  	[tilespmem:s11], [sflag:$0x3] =	stream.indirect_vreg.gather [hbm4b:s1+s3], $0x80, v3, vm0, $0xb8;
	[tilespmem:$0x1A800] =	vst v63  }
0x17b: {  	v3 =	vld [tilespmem:$0x6420];
	_ =	sdelay $0x4  }
0x17c: {  	v20 =	vshll.u32 v3, $0x1  }
0x17d: {  	v3 =	vand.u32 $0x7, v3;
	v4 =	vand.u32 $0xFFFFFFF0, v20  }
0x17e: {  	v3 =	vor.u32 v3, v4  }
0x17f: {  	v4 =	vperm.xlane v3, v0;
	_ =	sdelay $0x1  }
0x180: {  	v3 =	vperm.xlane v3, v2;
	v4 =	vadd.s32 v1, v4;
	_ =	sdelay $0x1  }
0x181: {  	v3 =	vadd.s32 v1, v3;
	_ =	sdelay $0x2  }
0x182: {  	[tilespmem:s12], [sflag:$0x3] =	stream.indirect_vreg.gather [hbm4b:s1+s3], $0x80, v4, vm0, $0xb8;
	[tilespmem:$0x1A800] =	vst v63  }
0x183: {  	_ = 	snop  }
0x184: {  	[tilespmem:s17], [sflag:$0x3] =	stream.indirect_vreg.gather [hbm4b:s1+s3], $0x80, v3, vm0, $0xb8;
	[tilespmem:$0x1A800] =	vst v63  }
0x185: {  	v3 =	vld [tilespmem:$0x6430];
	_ =	sdelay $0x4  }
0x186: {  	v21 =	vshll.u32 v3, $0x1  }
0x187: {  	v3 =	vand.u32 $0x7, v3;
	v4 =	vand.u32 $0xFFFFFFF0, v21  }
0x188: {  	v3 =	vor.u32 v3, v4  }
0x189: {  	v4 =	vperm.xlane v3, v0;
	_ =	sdelay $0x1  }
0x18a: {  	v3 =	vperm.xlane v3, v2;
	v4 =	vadd.s32 v1, v4;
	_ =	sdelay $0x1  }
0x18b: {  	v3 =	vadd.s32 v1, v3;
	_ =	sdelay $0x1  }
0x18c: {  	s18 =	simm.s32 $0x11800  }
0x18d: {  	[tilespmem:s18], [sflag:$0x3] =	stream.indirect_vreg.gather [hbm4b:s1+s3], $0x80, v4, vm0, $0xb8;
	[tilespmem:$0x1A800] =	vst v63  }
0x18e: {  	s18 =	simm.s32 $0x12000  }
0x18f: {  	[tilespmem:s18], [sflag:$0x3] =	stream.indirect_vreg.gather [hbm4b:s1+s3], $0x80, v3, vm0, $0xb8;
	[tilespmem:$0x1A800] =	vst v63  }
0x190: {  	v3 =	vld [tilespmem:$0x6440];
	_ =	sdelay $0x4  }
0x191: {  	v22 =	vshll.u32 v3, $0x1  }
0x192: {  	v3 =	vand.u32 $0x7, v3;
	v4 =	vand.u32 $0xFFFFFFF0, v22  }
0x193: {  	v3 =	vor.u32 v3, v4  }
0x194: {  	v4 =	vperm.xlane v3, v0;
	_ =	sdelay $0x1  }
0x195: {  	v3 =	vperm.xlane v3, v2;
	v4 =	vadd.s32 v1, v4;
	_ =	sdelay $0x1  }
0x196: {  	v3 =	vadd.s32 v1, v3;
	_ =	sdelay $0x1  }
0x197: {  	s18 =	simm.s32 $0x12800  }
0x198: {  	[tilespmem:s18], [sflag:$0x3] =	stream.indirect_vreg.gather [hbm4b:s1+s3], $0x80, v4, vm0, $0xb8;
	[tilespmem:$0x1A800] =	vst v63  }
0x199: {  	s18 =	simm.s32 $0x13000  }
0x19a: {  	[tilespmem:s18], [sflag:$0x3] =	stream.indirect_vreg.gather [hbm4b:s1+s3], $0x80, v3, vm0, $0xb8;
	[tilespmem:$0x1A800] =	vst v63  }
0x19b: {  	v3 =	vld [tilespmem:$0x6450];
	_ =	sdelay $0x4  }
0x19c: {  	v23 =	vshll.u32 v3, $0x1  }
0x19d: {  	v3 =	vand.u32 $0x7, v3;
	v4 =	vand.u32 $0xFFFFFFF0, v23  }
0x19e: {  	v3 =	vor.u32 v3, v4  }
0x19f: {  	v4 =	vperm.xlane v3, v0;
	_ =	sdelay $0x1  }
0x1a0: {  	v3 =	vperm.xlane v3, v2;
	v4 =	vadd.s32 v1, v4;
	_ =	sdelay $0x1  }
0x1a1: {  	v3 =	vadd.s32 v1, v3;
	_ =	sdelay $0x1  }
0x1a2: {  	s18 =	simm.s32 $0x13800  }
0x1a3: {  	[tilespmem:s18], [sflag:$0x3] =	stream.indirect_vreg.gather [hbm4b:s1+s3], $0x80, v4, vm0, $0xb8;
	[tilespmem:$0x1A800] =	vst v63  }
0x1a4: {  	s18 =	simm.s32 $0x14000  }
0x1a5: {  	[tilespmem:s18], [sflag:$0x3] =	stream.indirect_vreg.gather [hbm4b:s1+s3], $0x80, v3, vm0, $0xb8;
	[tilespmem:$0x1A800] =	vst v63  }
0x1a6: {  	v3 =	vld [tilespmem:$0x6460];
	_ =	sdelay $0x4  }
0x1a7: {  	v24 =	vshll.u32 v3, $0x1  }
0x1a8: {  	v3 =	vand.u32 $0x7, v3;
	v4 =	vand.u32 $0xFFFFFFF0, v24  }
0x1a9: {  	v3 =	vor.u32 v3, v4  }
0x1aa: {  	v4 =	vperm.xlane v3, v0;
	_ =	sdelay $0x1  }
0x1ab: {  	v3 =	vperm.xlane v3, v2;
	v4 =	vadd.s32 v1, v4;
	_ =	sdelay $0x1  }
0x1ac: {  	v3 =	vadd.s32 v1, v3;
	_ =	sdelay $0x1  }
0x1ad: {  	s18 =	simm.s32 $0x14800  }
0x1ae: {  	[tilespmem:s18], [sflag:$0x3] =	stream.indirect_vreg.gather [hbm4b:s1+s3], $0x80, v4, vm0, $0xb8;
	[tilespmem:$0x1A800] =	vst v63  }
0x1af: {  	s18 =	simm.s32 $0x15000  }
0x1b0: {  	[tilespmem:s18], [sflag:$0x3] =	stream.indirect_vreg.gather [hbm4b:s1+s3], $0x80, v3, vm0, $0xb8;
	[tilespmem:$0x1A800] =	vst v63  }
0x1b1: {  	v3 =	vld [tilespmem:$0x6470];
	_ =	sdelay $0x4  }
0x1b2: {  	v25 =	vshll.u32 v3, $0x1  }
0x1b3: {  	v3 =	vand.u32 $0x7, v3;
	v4 =	vand.u32 $0xFFFFFFF0, v25  }
0x1b4: {  	v3 =	vor.u32 v3, v4  }
0x1b5: {  	v4 =	vperm.xlane v3, v0;
	_ =	sdelay $0x1  }
0x1b6: {  	v3 =	vperm.xlane v3, v2;
	v4 =	vadd.s32 v1, v4;
	_ =	sdelay $0x1  }
0x1b7: {  	v3 =	vadd.s32 v1, v3;
	_ =	sdelay $0x1  }
0x1b8: {  	s18 =	simm.s32 $0x15800  }
0x1b9: {  	[tilespmem:s18], [sflag:$0x3] =	stream.indirect_vreg.gather [hbm4b:s1+s3], $0x80, v4, vm0, $0xb8;
	[tilespmem:$0x1A800] =	vst v63  }
0x1ba: {  	s18 =	simm.s32 $0x16000  }
0x1bb: {  	[tilespmem:s18], [sflag:$0x3] =	stream.indirect_vreg.gather [hbm4b:s1+s3], $0x80, v3, vm0, $0xb8;
	[tilespmem:$0x1A800] =	vst v63  }
0x1bc: {  	_ =	swait.ge [sflag:s13], $0x8000  }
0x1bd: {  	[sflag:s13] =	ssyncset.done $0x0  }
0x1be: {  	s18 =	rddreg [dreg:$0x1b];
	[sflag:s13] =	ssyncadd.s32 $0xFFFF8000  }
0x1bf: {  	[hbm4b:s18+s3] =	stream.linear.scatter [tilespmem:s23], [sflag:$0x4], $0x8000, $0x38;
	[tilespmem:$0x1A800] =	vst v63  }
0x1c0: {  	_ =	swait.ge [sflag:s14], $0x8000  }
0x1c1: {  	[sflag:s14] =	ssyncset.done $0x0  }
0x1c2: {  	[sflag:s14] =	ssyncadd.s32 $0xFFFF8000  }
0x1c3: {  	v3 =	vld [tilespmem:$0x6480];
	_ =	sdelay $0x4  }
0x1c4: {  	v26 =	vshll.u32 v3, $0x1  }
0x1c5: {  	v3 =	vand.u32 $0x7, v3;
	v4 =	vand.u32 $0xFFFFFFF0, v26  }
0x1c6: {  	v3 =	vor.u32 v3, v4  }
0x1c7: {  	v4 =	vperm.xlane v3, v0;
	_ =	sdelay $0x1  }
0x1c8: {  	v3 =	vperm.xlane v3, v2;
	v4 =	vadd.s32 v1, v4;
	_ =	sdelay $0x1  }
0x1c9: {  	v3 =	vadd.s32 v1, v3;
	_ =	sdelay $0x2  }
0x1ca: {  	[tilespmem:s23], [sflag:$0x2] =	stream.indirect_vreg.gather [hbm4b:s1+s3], $0x80, v4, vm0, $0xb8;
	[tilespmem:$0x1A800] =	vst v63  }
0x1cb: {  	_ = 	snop  }
0x1cc: {  	[tilespmem:s19], [sflag:$0x2] =	stream.indirect_vreg.gather [hbm4b:s1+s3], $0x80, v3, vm0, $0xb8;
	[tilespmem:$0x1A800] =	vst v63  }
0x1cd: {  	v3 =	vld [tilespmem:$0x6490];
	_ =	sdelay $0x4  }
0x1ce: {  	v27 =	vshll.u32 v3, $0x1  }
0x1cf: {  	v3 =	vand.u32 $0x7, v3;
	v4 =	vand.u32 $0xFFFFFFF0, v27  }
0x1d0: {  	v3 =	vor.u32 v3, v4  }
0x1d1: {  	v4 =	vperm.xlane v3, v0;
	_ =	sdelay $0x1  }
0x1d2: {  	v3 =	vperm.xlane v3, v2;
	v4 =	vadd.s32 v1, v4;
	_ =	sdelay $0x1  }
0x1d3: {  	v3 =	vadd.s32 v1, v3;
	_ =	sdelay $0x2  }
0x1d4: {  	[tilespmem:s20], [sflag:$0x2] =	stream.indirect_vreg.gather [hbm4b:s1+s3], $0x80, v4, vm0, $0xb8;
	[tilespmem:$0x1A800] =	vst v63  }
0x1d5: {  	_ = 	snop  }
0x1d6: {  	[tilespmem:s21], [sflag:$0x2] =	stream.indirect_vreg.gather [hbm4b:s1+s3], $0x80, v3, vm0, $0xb8;
	[tilespmem:$0x1A800] =	vst v63  }
0x1d7: {  	v3 =	vld [tilespmem:$0x64A0];
	_ =	sdelay $0x4  }
0x1d8: {  	v28 =	vshll.u32 v3, $0x1  }
0x1d9: {  	v3 =	vand.u32 $0x7, v3;
	v4 =	vand.u32 $0xFFFFFFF0, v28  }
0x1da: {  	v3 =	vor.u32 v3, v4  }
0x1db: {  	v4 =	vperm.xlane v3, v0;
	_ =	sdelay $0x1  }
0x1dc: {  	v3 =	vperm.xlane v3, v2;
	v4 =	vadd.s32 v1, v4;
	_ =	sdelay $0x1  }
0x1dd: {  	v3 =	vadd.s32 v1, v3;
	_ =	sdelay $0x2  }
0x1de: {  	[tilespmem:s22], [sflag:$0x2] =	stream.indirect_vreg.gather [hbm4b:s1+s3], $0x80, v4, vm0, $0xb8;
	[tilespmem:$0x1A800] =	vst v63  }
0x1df: {  	_ = 	snop  }
0x1e0: {  	[tilespmem:s24], [sflag:$0x2] =	stream.indirect_vreg.gather [hbm4b:s1+s3], $0x80, v3, vm0, $0xb8;
	[tilespmem:$0x1A800] =	vst v63  }
0x1e1: {  	v3 =	vld [tilespmem:$0x64B0];
	_ =	sdelay $0x4  }
0x1e2: {  	v29 =	vshll.u32 v3, $0x1  }
0x1e3: {  	v3 =	vand.u32 $0x7, v3;
	v4 =	vand.u32 $0xFFFFFFF0, v29  }
0x1e4: {  	v3 =	vor.u32 v3, v4  }
0x1e5: {  	v4 =	vperm.xlane v3, v0;
	_ =	sdelay $0x1  }
0x1e6: {  	v3 =	vperm.xlane v3, v2;
	v4 =	vadd.s32 v1, v4;
	_ =	sdelay $0x1  }
0x1e7: {  	v3 =	vadd.s32 v1, v3;
	_ =	sdelay $0x2  }
0x1e8: {  	[tilespmem:s25], [sflag:$0x2] =	stream.indirect_vreg.gather [hbm4b:s1+s3], $0x80, v4, vm0, $0xb8;
	[tilespmem:$0x1A800] =	vst v63  }
0x1e9: {  	_ = 	snop  }
0x1ea: {  	[tilespmem:s26], [sflag:$0x2] =	stream.indirect_vreg.gather [hbm4b:s1+s3], $0x80, v3, vm0, $0xb8;
	[tilespmem:$0x1A800] =	vst v63  }
0x1eb: {  	v3 =	vld [tilespmem:$0x64C0];
	_ =	sdelay $0x4  }
0x1ec: {  	v30 =	vshll.u32 v3, $0x1  }
0x1ed: {  	v3 =	vand.u32 $0x7, v3;
	v4 =	vand.u32 $0xFFFFFFF0, v30  }
0x1ee: {  	v3 =	vor.u32 v3, v4  }
0x1ef: {  	v4 =	vperm.xlane v3, v0;
	_ =	sdelay $0x1  }
0x1f0: {  	v3 =	vperm.xlane v3, v2;
	v4 =	vadd.s32 v1, v4;
	_ =	sdelay $0x1  }
0x1f1: {  	v3 =	vadd.s32 v1, v3;
	_ =	sdelay $0x2  }
0x1f2: {  	[tilespmem:s28], [sflag:$0x2] =	stream.indirect_vreg.gather [hbm4b:s1+s3], $0x80, v4, vm0, $0xb8;
	[tilespmem:$0x1A800] =	vst v63  }
0x1f3: {  	_ = 	snop  }
0x1f4: {  	[tilespmem:s29], [sflag:$0x2] =	stream.indirect_vreg.gather [hbm4b:s1+s3], $0x80, v3, vm0, $0xb8;
	[tilespmem:$0x1A800] =	vst v63  }
0x1f5: {  	v3 =	vld [tilespmem:$0x64D0];
	_ =	sdelay $0x4  }
0x1f6: {  	v31 =	vshll.u32 v3, $0x1  }
0x1f7: {  	v3 =	vand.u32 $0x7, v3;
	v4 =	vand.u32 $0xFFFFFFF0, v31  }
0x1f8: {  	v3 =	vor.u32 v3, v4  }
0x1f9: {  	v4 =	vperm.xlane v3, v0;
	_ =	sdelay $0x1  }
0x1fa: {  	v3 =	vperm.xlane v3, v2;
	v4 =	vadd.s32 v1, v4;
	_ =	sdelay $0x1  }
0x1fb: {  	v3 =	vadd.s32 v1, v3;
	_ =	sdelay $0x2  }
0x1fc: {  	[tilespmem:s30], [sflag:$0x2] =	stream.indirect_vreg.gather [hbm4b:s1+s3], $0x80, v4, vm0, $0xb8;
	[tilespmem:$0x1A800] =	vst v63  }
0x1fd: {  	_ = 	snop  }
0x1fe: {  	[tilespmem:s31], [sflag:$0x2] =	stream.indirect_vreg.gather [hbm4b:s1+s3], $0x80, v3, vm0, $0xb8;
	[tilespmem:$0x1A800] =	vst v63  }
0x1ff: {  	v3 =	vld [tilespmem:$0x64E0];
	_ =	sdelay $0x4  }
0x200: {  	v32 =	vshll.u32 v3, $0x1  }
0x201: {  	v3 =	vand.u32 $0x7, v3;
	v4 =	vand.u32 $0xFFFFFFF0, v32  }
0x202: {  	v3 =	vor.u32 v3, v4  }
0x203: {  	v4 =	vperm.xlane v3, v0;
	_ =	sdelay $0x1  }
0x204: {  	v3 =	vperm.xlane v3, v2;
	v4 =	vadd.s32 v1, v4;
	_ =	sdelay $0x1  }
0x205: {  	v3 =	vadd.s32 v1, v3;
	_ =	sdelay $0x2  }
0x206: {  	[tilespmem:s7], [sflag:$0x2] =	stream.indirect_vreg.gather [hbm4b:s1+s3], $0x80, v4, vm0, $0xb8;
	[tilespmem:$0x1A800] =	vst v63  }
0x207: {  	_ = 	snop  }
0x208: {  	[tilespmem:s2], [sflag:$0x2] =	stream.indirect_vreg.gather [hbm4b:s1+s3], $0x80, v3, vm0, $0xb8;
	[tilespmem:$0x1A800] =	vst v63  }
0x209: {  	v3 =	vld [tilespmem:$0x64F0];
	_ =	sdelay $0x4  }
0x20a: {  	v33 =	vshll.u32 v3, $0x1  }
0x20b: {  	v3 =	vand.u32 $0x7, v3;
	v4 =	vand.u32 $0xFFFFFFF0, v33  }
0x20c: {  	v3 =	vor.u32 v3, v4  }
0x20d: {  	v4 =	vperm.xlane v3, v0;
	_ =	sdelay $0x1  }
0x20e: {  	v3 =	vperm.xlane v3, v2;
	v4 =	vadd.s32 v1, v4;
	_ =	sdelay $0x1  }
0x20f: {  	v3 =	vadd.s32 v1, v3;
	_ =	sdelay $0x2  }
0x210: {  	[tilespmem:s4], [sflag:$0x2] =	stream.indirect_vreg.gather [hbm4b:s1+s3], $0x80, v4, vm0, $0xb8;
	[tilespmem:$0x1A800] =	vst v63  }
0x211: {  	_ = 	snop  }
0x212: {  	[tilespmem:s8], [sflag:$0x2] =	stream.indirect_vreg.gather [hbm4b:s1+s3], $0x80, v3, vm0, $0xb8;
	[tilespmem:$0x1A800] =	vst v63  }
0x213: {  	_ =	swait.ge [sflag:s15], $0x8000  }
0x214: {  	[sflag:s15] =	ssyncset.done $0x0  }
0x215: {  	s18 =	rddreg [dreg:$0xa];
	[sflag:s15] =	ssyncadd.s32 $0xFFFF8000  }
0x216: {  	[hbm4b:s18+s3] =	stream.linear.scatter [tilespmem:s0], [sflag:$0x5], $0x8000, $0x38;
	[tilespmem:$0x1A800] =	vst v63  }
0x217: {  	_ =	swait.ge [sflag:s16], $0x8000  }
0x218: {  	[sflag:s16] =	ssyncset.done $0x0  }
0x219: {  	[sflag:s16] =	ssyncadd.s32 $0xFFFF8000  }
0x21a: {  	v3 =	vld [tilespmem:$0x6500];
	_ =	sdelay $0x4  }
0x21b: {  	v34 =	vshll.u32 v3, $0x1  }
0x21c: {  	v3 =	vand.u32 $0x7, v3;
	v4 =	vand.u32 $0xFFFFFFF0, v34  }
0x21d: {  	v3 =	vor.u32 v3, v4  }
0x21e: {  	v4 =	vperm.xlane v3, v0;
	_ =	sdelay $0x1  }
0x21f: {  	v3 =	vperm.xlane v3, v2;
	v4 =	vadd.s32 v1, v4;
	_ =	sdelay $0x1  }
0x220: {  	v3 =	vadd.s32 v1, v3;
	_ =	sdelay $0x2  }
0x221: {  	[tilespmem:s0], [sflag:$0x3] =	stream.indirect_vreg.gather [hbm4b:s1+s3], $0x80, v4, vm0, $0xb8;
	[tilespmem:$0x1A800] =	vst v63  }
0x222: {  	_ = 	snop  }
0x223: {  	[tilespmem:s9], [sflag:$0x3] =	stream.indirect_vreg.gather [hbm4b:s1+s3], $0x80, v3, vm0, $0xb8;
	[tilespmem:$0x1A800] =	vst v63  }
0x224: {  	v3 =	vld [tilespmem:$0x6510];
	_ =	sdelay $0x4  }
0x225: {  	v35 =	vshll.u32 v3, $0x1  }
0x226: {  	v3 =	vand.u32 $0x7, v3;
	v4 =	vand.u32 $0xFFFFFFF0, v35  }
0x227: {  	v3 =	vor.u32 v3, v4  }
0x228: {  	v4 =	vperm.xlane v3, v0;
	_ =	sdelay $0x1  }
0x229: {  	v3 =	vperm.xlane v3, v2;
	v4 =	vadd.s32 v1, v4;
	_ =	sdelay $0x1  }
0x22a: {  	v3 =	vadd.s32 v1, v3;
	_ =	sdelay $0x2  }
0x22b: {  	[tilespmem:s10], [sflag:$0x3] =	stream.indirect_vreg.gather [hbm4b:s1+s3], $0x80, v4, vm0, $0xb8;
	[tilespmem:$0x1A800] =	vst v63  }
0x22c: {  	_ = 	snop  }
0x22d: {  	[tilespmem:s11], [sflag:$0x3] =	stream.indirect_vreg.gather [hbm4b:s1+s3], $0x80, v3, vm0, $0xb8;
	[tilespmem:$0x1A800] =	vst v63  }
0x22e: {  	v3 =	vld [tilespmem:$0x6520];
	_ =	sdelay $0x4  }
0x22f: {  	v36 =	vshll.u32 v3, $0x1  }
0x230: {  	v3 =	vand.u32 $0x7, v3;
	v4 =	vand.u32 $0xFFFFFFF0, v36  }
0x231: {  	v3 =	vor.u32 v3, v4  }
0x232: {  	v4 =	vperm.xlane v3, v0;
	_ =	sdelay $0x1  }
0x233: {  	v3 =	vperm.xlane v3, v2;
	v4 =	vadd.s32 v1, v4;
	_ =	sdelay $0x1  }
0x234: {  	v3 =	vadd.s32 v1, v3;
	_ =	sdelay $0x2  }
0x235: {  	[tilespmem:s12], [sflag:$0x3] =	stream.indirect_vreg.gather [hbm4b:s1+s3], $0x80, v4, vm0, $0xb8;
	[tilespmem:$0x1A800] =	vst v63  }
0x236: {  	_ = 	snop  }
0x237: {  	[tilespmem:s17], [sflag:$0x3] =	stream.indirect_vreg.gather [hbm4b:s1+s3], $0x80, v3, vm0, $0xb8;
	[tilespmem:$0x1A800] =	vst v63  }
0x238: {  	v3 =	vld [tilespmem:$0x6530];
	_ =	sdelay $0x4  }
0x239: {  	v37 =	vshll.u32 v3, $0x1  }
0x23a: {  	v3 =	vand.u32 $0x7, v3;
	v4 =	vand.u32 $0xFFFFFFF0, v37  }
0x23b: {  	v3 =	vor.u32 v3, v4  }
0x23c: {  	v4 =	vperm.xlane v3, v0;
	_ =	sdelay $0x1  }
0x23d: {  	v3 =	vperm.xlane v3, v2;
	v4 =	vadd.s32 v1, v4;
	_ =	sdelay $0x1  }
0x23e: {  	v3 =	vadd.s32 v1, v3;
	_ =	sdelay $0x1  }
0x23f: {  	s18 =	simm.s32 $0x11800  }
0x240: {  	[tilespmem:s18], [sflag:$0x3] =	stream.indirect_vreg.gather [hbm4b:s1+s3], $0x80, v4, vm0, $0xb8;
	[tilespmem:$0x1A800] =	vst v63  }
0x241: {  	s18 =	simm.s32 $0x12000  }
0x242: {  	[tilespmem:s18], [sflag:$0x3] =	stream.indirect_vreg.gather [hbm4b:s1+s3], $0x80, v3, vm0, $0xb8;
	[tilespmem:$0x1A800] =	vst v63  }
0x243: {  	v3 =	vld [tilespmem:$0x6540];
	_ =	sdelay $0x4  }
0x244: {  	v38 =	vshll.u32 v3, $0x1  }
0x245: {  	v3 =	vand.u32 $0x7, v3;
	v4 =	vand.u32 $0xFFFFFFF0, v38  }
0x246: {  	v3 =	vor.u32 v3, v4  }
0x247: {  	v4 =	vperm.xlane v3, v0;
	_ =	sdelay $0x1  }
0x248: {  	v3 =	vperm.xlane v3, v2;
	v4 =	vadd.s32 v1, v4;
	_ =	sdelay $0x1  }
0x249: {  	v3 =	vadd.s32 v1, v3;
	_ =	sdelay $0x1  }
0x24a: {  	s18 =	simm.s32 $0x12800  }
0x24b: {  	[tilespmem:s18], [sflag:$0x3] =	stream.indirect_vreg.gather [hbm4b:s1+s3], $0x80, v4, vm0, $0xb8;
	[tilespmem:$0x1A800] =	vst v63  }
0x24c: {  	s18 =	simm.s32 $0x13000  }
0x24d: {  	[tilespmem:s18], [sflag:$0x3] =	stream.indirect_vreg.gather [hbm4b:s1+s3], $0x80, v3, vm0, $0xb8;
	[tilespmem:$0x1A800] =	vst v63  }
0x24e: {  	v3 =	vld [tilespmem:$0x6550];
	_ =	sdelay $0x4  }
0x24f: {  	v39 =	vshll.u32 v3, $0x1  }
0x250: {  	v3 =	vand.u32 $0x7, v3;
	v4 =	vand.u32 $0xFFFFFFF0, v39  }
0x251: {  	v3 =	vor.u32 v3, v4  }
0x252: {  	v4 =	vperm.xlane v3, v0;
	_ =	sdelay $0x1  }
0x253: {  	v3 =	vperm.xlane v3, v2;
	v4 =	vadd.s32 v1, v4;
	_ =	sdelay $0x1  }
0x254: {  	v3 =	vadd.s32 v1, v3;
	_ =	sdelay $0x1  }
0x255: {  	s18 =	simm.s32 $0x13800  }
0x256: {  	[tilespmem:s18], [sflag:$0x3] =	stream.indirect_vreg.gather [hbm4b:s1+s3], $0x80, v4, vm0, $0xb8;
	[tilespmem:$0x1A800] =	vst v63  }
0x257: {  	s18 =	simm.s32 $0x14000  }
0x258: {  	[tilespmem:s18], [sflag:$0x3] =	stream.indirect_vreg.gather [hbm4b:s1+s3], $0x80, v3, vm0, $0xb8;
	[tilespmem:$0x1A800] =	vst v63  }
0x259: {  	v3 =	vld [tilespmem:$0x6560];
	_ =	sdelay $0x4  }
0x25a: {  	v40 =	vshll.u32 v3, $0x1  }
0x25b: {  	v3 =	vand.u32 $0x7, v3;
	v4 =	vand.u32 $0xFFFFFFF0, v40  }
0x25c: {  	v3 =	vor.u32 v3, v4  }
0x25d: {  	v4 =	vperm.xlane v3, v0;
	_ =	sdelay $0x1  }
0x25e: {  	v3 =	vperm.xlane v3, v2;
	v4 =	vadd.s32 v1, v4;
	_ =	sdelay $0x1  }
0x25f: {  	v3 =	vadd.s32 v1, v3;
	_ =	sdelay $0x1  }
0x260: {  	s18 =	simm.s32 $0x14800  }
0x261: {  	[tilespmem:s18], [sflag:$0x3] =	stream.indirect_vreg.gather [hbm4b:s1+s3], $0x80, v4, vm0, $0xb8;
	[tilespmem:$0x1A800] =	vst v63  }
0x262: {  	s18 =	simm.s32 $0x15000  }
0x263: {  	[tilespmem:s18], [sflag:$0x3] =	stream.indirect_vreg.gather [hbm4b:s1+s3], $0x80, v3, vm0, $0xb8;
	[tilespmem:$0x1A800] =	vst v63  }
0x264: {  	v3 =	vld [tilespmem:$0x6570];
	_ =	sdelay $0x4  }
0x265: {  	v41 =	vshll.u32 v3, $0x1  }
0x266: {  	v3 =	vand.u32 $0x7, v3;
	v4 =	vand.u32 $0xFFFFFFF0, v41  }
0x267: {  	v3 =	vor.u32 v3, v4  }
0x268: {  	v4 =	vperm.xlane v3, v0;
	_ =	sdelay $0x1  }
0x269: {  	v3 =	vperm.xlane v3, v2;
	v4 =	vadd.s32 v1, v4;
	_ =	sdelay $0x1  }
0x26a: {  	v3 =	vadd.s32 v1, v3;
	_ =	sdelay $0x1  }
0x26b: {  	s18 =	simm.s32 $0x15800  }
0x26c: {  	[tilespmem:s18], [sflag:$0x3] =	stream.indirect_vreg.gather [hbm4b:s1+s3], $0x80, v4, vm0, $0xb8;
	[tilespmem:$0x1A800] =	vst v63  }
0x26d: {  	s18 =	simm.s32 $0x16000  }
0x26e: {  	[tilespmem:s18], [sflag:$0x3] =	stream.indirect_vreg.gather [hbm4b:s1+s3], $0x80, v3, vm0, $0xb8;
	[tilespmem:$0x1A800] =	vst v63  }
0x26f: {  	_ =	swait.ge [sflag:s13], $0x8000  }
0x270: {  	[sflag:s13] =	ssyncset.done $0x0  }
0x271: {  	s18 =	rddreg [dreg:$0xb];
	[sflag:s13] =	ssyncadd.s32 $0xFFFF8000  }
0x272: {  	[hbm4b:s18+s3] =	stream.linear.scatter [tilespmem:s23], [sflag:$0x4], $0x8000, $0x38;
	[tilespmem:$0x1A800] =	vst v63  }
0x273: {  	_ =	swait.ge [sflag:s14], $0x8000  }
0x274: {  	[sflag:s14] =	ssyncset.done $0x0  }
0x275: {  	[sflag:s14] =	ssyncadd.s32 $0xFFFF8000  }
0x276: {  	v3 =	vld [tilespmem:$0x6580];
	_ =	sdelay $0x4  }
0x277: {  	v42 =	vshll.u32 v3, $0x1  }
0x278: {  	v3 =	vand.u32 $0x7, v3;
	v4 =	vand.u32 $0xFFFFFFF0, v42  }
0x279: {  	v3 =	vor.u32 v3, v4  }
0x27a: {  	v4 =	vperm.xlane v3, v0;
	_ =	sdelay $0x1  }
0x27b: {  	v3 =	vperm.xlane v3, v2;
	v4 =	vadd.s32 v1, v4;
	_ =	sdelay $0x1  }
0x27c: {  	v3 =	vadd.s32 v1, v3;
	_ =	sdelay $0x2  }
0x27d: {  	[tilespmem:s23], [sflag:$0x2] =	stream.indirect_vreg.gather [hbm4b:s1+s3], $0x80, v4, vm0, $0xb8;
	[tilespmem:$0x1A800] =	vst v63  }
0x27e: {  	_ = 	snop  }
0x27f: {  	[tilespmem:s19], [sflag:$0x2] =	stream.indirect_vreg.gather [hbm4b:s1+s3], $0x80, v3, vm0, $0xb8;
	[tilespmem:$0x1A800] =	vst v63  }
0x280: {  	v3 =	vld [tilespmem:$0x6590];
	_ =	sdelay $0x4  }
0x281: {  	v43 =	vshll.u32 v3, $0x1  }
0x282: {  	v3 =	vand.u32 $0x7, v3;
	v4 =	vand.u32 $0xFFFFFFF0, v43  }
0x283: {  	v3 =	vor.u32 v3, v4  }
0x284: {  	v4 =	vperm.xlane v3, v0;
	_ =	sdelay $0x1  }
0x285: {  	v3 =	vperm.xlane v3, v2;
	v4 =	vadd.s32 v1, v4;
	_ =	sdelay $0x1  }
0x286: {  	v3 =	vadd.s32 v1, v3;
	_ =	sdelay $0x2  }
0x287: {  	[tilespmem:s20], [sflag:$0x2] =	stream.indirect_vreg.gather [hbm4b:s1+s3], $0x80, v4, vm0, $0xb8;
	[tilespmem:$0x1A800] =	vst v63  }
0x288: {  	_ = 	snop  }
0x289: {  	[tilespmem:s21], [sflag:$0x2] =	stream.indirect_vreg.gather [hbm4b:s1+s3], $0x80, v3, vm0, $0xb8;
	[tilespmem:$0x1A800] =	vst v63  }
0x28a: {  	v3 =	vld [tilespmem:$0x65A0];
	_ =	sdelay $0x4  }
0x28b: {  	v44 =	vshll.u32 v3, $0x1  }
0x28c: {  	v3 =	vand.u32 $0x7, v3;
	v4 =	vand.u32 $0xFFFFFFF0, v44  }
0x28d: {  	v3 =	vor.u32 v3, v4  }
0x28e: {  	v4 =	vperm.xlane v3, v0;
	_ =	sdelay $0x1  }
0x28f: {  	v3 =	vperm.xlane v3, v2;
	v4 =	vadd.s32 v1, v4;
	_ =	sdelay $0x1  }
0x290: {  	v3 =	vadd.s32 v1, v3;
	_ =	sdelay $0x2  }
0x291: {  	[tilespmem:s22], [sflag:$0x2] =	stream.indirect_vreg.gather [hbm4b:s1+s3], $0x80, v4, vm0, $0xb8;
	[tilespmem:$0x1A800] =	vst v63  }
0x292: {  	_ = 	snop  }
0x293: {  	[tilespmem:s24], [sflag:$0x2] =	stream.indirect_vreg.gather [hbm4b:s1+s3], $0x80, v3, vm0, $0xb8;
	[tilespmem:$0x1A800] =	vst v63  }
0x294: {  	v3 =	vld [tilespmem:$0x65B0];
	_ =	sdelay $0x4  }
0x295: {  	v45 =	vshll.u32 v3, $0x1  }
0x296: {  	v3 =	vand.u32 $0x7, v3;
	v4 =	vand.u32 $0xFFFFFFF0, v45  }
0x297: {  	v3 =	vor.u32 v3, v4  }
0x298: {  	v4 =	vperm.xlane v3, v0;
	_ =	sdelay $0x1  }
0x299: {  	v3 =	vperm.xlane v3, v2;
	v4 =	vadd.s32 v1, v4;
	_ =	sdelay $0x1  }
0x29a: {  	v3 =	vadd.s32 v1, v3;
	_ =	sdelay $0x2  }
0x29b: {  	[tilespmem:s25], [sflag:$0x2] =	stream.indirect_vreg.gather [hbm4b:s1+s3], $0x80, v4, vm0, $0xb8;
	[tilespmem:$0x1A800] =	vst v63  }
0x29c: {  	_ = 	snop  }
0x29d: {  	[tilespmem:s26], [sflag:$0x2] =	stream.indirect_vreg.gather [hbm4b:s1+s3], $0x80, v3, vm0, $0xb8;
	[tilespmem:$0x1A800] =	vst v63  }
0x29e: {  	v3 =	vld [tilespmem:$0x65C0];
	_ =	sdelay $0x4  }
0x29f: {  	v46 =	vshll.u32 v3, $0x1  }
0x2a0: {  	v3 =	vand.u32 $0x7, v3;
	v4 =	vand.u32 $0xFFFFFFF0, v46  }
0x2a1: {  	v3 =	vor.u32 v3, v4  }
0x2a2: {  	v4 =	vperm.xlane v3, v0;
	_ =	sdelay $0x1  }
0x2a3: {  	v3 =	vperm.xlane v3, v2;
	v4 =	vadd.s32 v1, v4;
	_ =	sdelay $0x1  }
0x2a4: {  	v3 =	vadd.s32 v1, v3;
	_ =	sdelay $0x2  }
0x2a5: {  	[tilespmem:s28], [sflag:$0x2] =	stream.indirect_vreg.gather [hbm4b:s1+s3], $0x80, v4, vm0, $0xb8;
	[tilespmem:$0x1A800] =	vst v63  }
0x2a6: {  	_ = 	snop  }
0x2a7: {  	[tilespmem:s29], [sflag:$0x2] =	stream.indirect_vreg.gather [hbm4b:s1+s3], $0x80, v3, vm0, $0xb8;
	[tilespmem:$0x1A800] =	vst v63  }
0x2a8: {  	v3 =	vld [tilespmem:$0x65D0];
	_ =	sdelay $0x4  }
0x2a9: {  	v47 =	vshll.u32 v3, $0x1  }
0x2aa: {  	v3 =	vand.u32 $0x7, v3;
	v4 =	vand.u32 $0xFFFFFFF0, v47  }
0x2ab: {  	v3 =	vor.u32 v3, v4  }
0x2ac: {  	v4 =	vperm.xlane v3, v0;
	_ =	sdelay $0x1  }
0x2ad: {  	v3 =	vperm.xlane v3, v2;
	v4 =	vadd.s32 v1, v4;
	_ =	sdelay $0x1  }
0x2ae: {  	v3 =	vadd.s32 v1, v3;
	_ =	sdelay $0x2  }
0x2af: {  	[tilespmem:s30], [sflag:$0x2] =	stream.indirect_vreg.gather [hbm4b:s1+s3], $0x80, v4, vm0, $0xb8;
	[tilespmem:$0x1A800] =	vst v63  }
0x2b0: {  	_ = 	snop  }
0x2b1: {  	[tilespmem:s31], [sflag:$0x2] =	stream.indirect_vreg.gather [hbm4b:s1+s3], $0x80, v3, vm0, $0xb8;
	[tilespmem:$0x1A800] =	vst v63  }
0x2b2: {  	v3 =	vld [tilespmem:$0x65E0];
	_ =	sdelay $0x4  }
0x2b3: {  	v48 =	vshll.u32 v3, $0x1  }
0x2b4: {  	v3 =	vand.u32 $0x7, v3;
	v4 =	vand.u32 $0xFFFFFFF0, v48  }
0x2b5: {  	v3 =	vor.u32 v3, v4  }
0x2b6: {  	v4 =	vperm.xlane v3, v0;
	_ =	sdelay $0x1  }
0x2b7: {  	v3 =	vperm.xlane v3, v2;
	v4 =	vadd.s32 v1, v4;
	_ =	sdelay $0x1  }
0x2b8: {  	v3 =	vadd.s32 v1, v3;
	_ =	sdelay $0x2  }
0x2b9: {  	[tilespmem:s7], [sflag:$0x2] =	stream.indirect_vreg.gather [hbm4b:s1+s3], $0x80, v4, vm0, $0xb8;
	[tilespmem:$0x1A800] =	vst v63  }
0x2ba: {  	_ = 	snop  }
0x2bb: {  	[tilespmem:s2], [sflag:$0x2] =	stream.indirect_vreg.gather [hbm4b:s1+s3], $0x80, v3, vm0, $0xb8;
	[tilespmem:$0x1A800] =	vst v63  }
0x2bc: {  	v3 =	vld [tilespmem:$0x65F0];
	_ =	sdelay $0x4  }
0x2bd: {  	v49 =	vshll.u32 v3, $0x1  }
0x2be: {  	v3 =	vand.u32 $0x7, v3;
	v4 =	vand.u32 $0xFFFFFFF0, v49  }
0x2bf: {  	v3 =	vor.u32 v3, v4  }
0x2c0: {  	v4 =	vperm.xlane v3, v0;
	_ =	sdelay $0x1  }
0x2c1: {  	v3 =	vperm.xlane v3, v2;
	v4 =	vadd.s32 v1, v4;
	_ =	sdelay $0x1  }
0x2c2: {  	v3 =	vadd.s32 v1, v3;
	_ =	sdelay $0x2  }
0x2c3: {  	[tilespmem:s4], [sflag:$0x2] =	stream.indirect_vreg.gather [hbm4b:s1+s3], $0x80, v4, vm0, $0xb8;
	[tilespmem:$0x1A800] =	vst v63  }
0x2c4: {  	_ = 	snop  }
0x2c5: {  	[tilespmem:s8], [sflag:$0x2] =	stream.indirect_vreg.gather [hbm4b:s1+s3], $0x80, v3, vm0, $0xb8;
	[tilespmem:$0x1A800] =	vst v63  }
0x2c6: {  	_ =	swait.ge [sflag:s15], $0x8000  }
0x2c7: {  	[sflag:s15] =	ssyncset.done $0x0  }
0x2c8: {  	s19 =	rddreg [dreg:$0xc];
	[sflag:s15] =	ssyncadd.s32 $0xFFFF8000  }
0x2c9: {  	[hbm4b:s19+s3] =	stream.linear.scatter [tilespmem:s0], [sflag:$0x5], $0x8000, $0x38;
	[tilespmem:$0x1A800] =	vst v63  }
0x2ca: {  	_ =	swait.ge [sflag:s16], $0x8000  }
0x2cb: {  	[sflag:s16] =	ssyncset.done $0x0  }
0x2cc: {  	[sflag:s16] =	ssyncadd.s32 $0xFFFF8000  }
0x2cd: {  	v3 =	vld [tilespmem:$0x6600];
	_ =	sdelay $0x4  }
0x2ce: {  	v50 =	vshll.u32 v3, $0x1  }
0x2cf: {  	v3 =	vand.u32 $0x7, v3;
	v4 =	vand.u32 $0xFFFFFFF0, v50  }
0x2d0: {  	v3 =	vor.u32 v3, v4  }
0x2d1: {  	v4 =	vperm.xlane v3, v0;
	_ =	sdelay $0x1  }
0x2d2: {  	v3 =	vperm.xlane v3, v2;
	v4 =	vadd.s32 v1, v4;
	_ =	sdelay $0x1  }
0x2d3: {  	v3 =	vadd.s32 v1, v3;
	_ =	sdelay $0x2  }
0x2d4: {  	[tilespmem:s0], [sflag:$0x3] =	stream.indirect_vreg.gather [hbm4b:s1+s3], $0x80, v4, vm0, $0xb8;
	[tilespmem:$0x1A800] =	vst v63  }
0x2d5: {  	_ = 	snop  }
0x2d6: {  	[tilespmem:s9], [sflag:$0x3] =	stream.indirect_vreg.gather [hbm4b:s1+s3], $0x80, v3, vm0, $0xb8;
	[tilespmem:$0x1A800] =	vst v63  }
0x2d7: {  	v3 =	vld [tilespmem:$0x6610];
	_ =	sdelay $0x4  }
0x2d8: {  	v51 =	vshll.u32 v3, $0x1  }
0x2d9: {  	v3 =	vand.u32 $0x7, v3;
	v4 =	vand.u32 $0xFFFFFFF0, v51  }
0x2da: {  	v3 =	vor.u32 v3, v4  }
0x2db: {  	v4 =	vperm.xlane v3, v0;
	_ =	sdelay $0x1  }
0x2dc: {  	v3 =	vperm.xlane v3, v2;
	v4 =	vadd.s32 v1, v4;
	_ =	sdelay $0x1  }
0x2dd: {  	v3 =	vadd.s32 v1, v3;
	_ =	sdelay $0x2  }
0x2de: {  	[tilespmem:s10], [sflag:$0x3] =	stream.indirect_vreg.gather [hbm4b:s1+s3], $0x80, v4, vm0, $0xb8;
	[tilespmem:$0x1A800] =	vst v63  }
0x2df: {  	_ = 	snop  }
0x2e0: {  	[tilespmem:s11], [sflag:$0x3] =	stream.indirect_vreg.gather [hbm4b:s1+s3], $0x80, v3, vm0, $0xb8;
	[tilespmem:$0x1A800] =	vst v63  }
0x2e1: {  	v3 =	vld [tilespmem:$0x6620];
	_ =	sdelay $0x4  }
0x2e2: {  	v52 =	vshll.u32 v3, $0x1  }
0x2e3: {  	v3 =	vand.u32 $0x7, v3;
	v4 =	vand.u32 $0xFFFFFFF0, v52  }
0x2e4: {  	v3 =	vor.u32 v3, v4  }
0x2e5: {  	v4 =	vperm.xlane v3, v0;
	_ =	sdelay $0x1  }
0x2e6: {  	v3 =	vperm.xlane v3, v2;
	v4 =	vadd.s32 v1, v4;
	_ =	sdelay $0x1  }
0x2e7: {  	v3 =	vadd.s32 v1, v3;
	_ =	sdelay $0x2  }
0x2e8: {  	[tilespmem:s12], [sflag:$0x3] =	stream.indirect_vreg.gather [hbm4b:s1+s3], $0x80, v4, vm0, $0xb8;
	[tilespmem:$0x1A800] =	vst v63  }
0x2e9: {  	_ = 	snop  }
0x2ea: {  	[tilespmem:s17], [sflag:$0x3] =	stream.indirect_vreg.gather [hbm4b:s1+s3], $0x80, v3, vm0, $0xb8;
	[tilespmem:$0x1A800] =	vst v63  }
0x2eb: {  	v3 =	vld [tilespmem:$0x6630];
	_ =	sdelay $0x4  }
0x2ec: {  	v53 =	vshll.u32 v3, $0x1  }
0x2ed: {  	v3 =	vand.u32 $0x7, v3;
	v4 =	vand.u32 $0xFFFFFFF0, v53  }
0x2ee: {  	v3 =	vor.u32 v3, v4  }
0x2ef: {  	v4 =	vperm.xlane v3, v0;
	_ =	sdelay $0x1  }
0x2f0: {  	v3 =	vperm.xlane v3, v2;
	v4 =	vadd.s32 v1, v4;
	_ =	sdelay $0x1  }
0x2f1: {  	v3 =	vadd.s32 v1, v3;
	_ =	sdelay $0x1  }
0x2f2: {  	s20 =	simm.s32 $0x11800  }
0x2f3: {  	[tilespmem:s20], [sflag:$0x3] =	stream.indirect_vreg.gather [hbm4b:s1+s3], $0x80, v4, vm0, $0xb8;
	[tilespmem:$0x1A800] =	vst v63  }
0x2f4: {  	s21 =	simm.s32 $0x12000  }
0x2f5: {  	[tilespmem:s21], [sflag:$0x3] =	stream.indirect_vreg.gather [hbm4b:s1+s3], $0x80, v3, vm0, $0xb8;
	[tilespmem:$0x1A800] =	vst v63  }
0x2f6: {  	v3 =	vld [tilespmem:$0x6640];
	_ =	sdelay $0x4  }
0x2f7: {  	v54 =	vshll.u32 v3, $0x1  }
0x2f8: {  	v3 =	vand.u32 $0x7, v3;
	v4 =	vand.u32 $0xFFFFFFF0, v54  }
0x2f9: {  	v3 =	vor.u32 v3, v4  }
0x2fa: {  	v4 =	vperm.xlane v3, v0;
	_ =	sdelay $0x1  }
0x2fb: {  	v3 =	vperm.xlane v3, v2;
	v4 =	vadd.s32 v1, v4;
	_ =	sdelay $0x1  }
0x2fc: {  	v3 =	vadd.s32 v1, v3;
	_ =	sdelay $0x1  }
0x2fd: {  	s4 =	simm.s32 $0x12800  }
0x2fe: {  	[tilespmem:s4], [sflag:$0x3] =	stream.indirect_vreg.gather [hbm4b:s1+s3], $0x80, v4, vm0, $0xb8;
	[tilespmem:$0x1A800] =	vst v63  }
0x2ff: {  	s7 =	simm.s32 $0x13000  }
0x300: {  	[tilespmem:s7], [sflag:$0x3] =	stream.indirect_vreg.gather [hbm4b:s1+s3], $0x80, v3, vm0, $0xb8;
	[tilespmem:$0x1A800] =	vst v63  }
0x301: {  	v3 =	vld [tilespmem:$0x6650];
	_ =	sdelay $0x4  }
0x302: {  	v55 =	vshll.u32 v3, $0x1  }
0x303: {  	v3 =	vand.u32 $0x7, v3;
	v4 =	vand.u32 $0xFFFFFFF0, v55  }
0x304: {  	v3 =	vor.u32 v3, v4  }
0x305: {  	v4 =	vperm.xlane v3, v0;
	_ =	sdelay $0x1  }
0x306: {  	v3 =	vperm.xlane v3, v2;
	v4 =	vadd.s32 v1, v4;
	_ =	sdelay $0x1  }
0x307: {  	v3 =	vadd.s32 v1, v3;
	_ =	sdelay $0x1  }
0x308: {  	s8 =	simm.s32 $0x13800  }
0x309: {  	[tilespmem:s8], [sflag:$0x3] =	stream.indirect_vreg.gather [hbm4b:s1+s3], $0x80, v4, vm0, $0xb8;
	[tilespmem:$0x1A800] =	vst v63  }
0x30a: {  	s18 =	simm.s32 $0x14000  }
0x30b: {  	[tilespmem:s18], [sflag:$0x3] =	stream.indirect_vreg.gather [hbm4b:s1+s3], $0x80, v3, vm0, $0xb8;
	[tilespmem:$0x1A800] =	vst v63  }
0x30c: {  	v3 =	vld [tilespmem:$0x6660];
	_ =	sdelay $0x4  }
0x30d: {  	v56 =	vshll.u32 v3, $0x1  }
0x30e: {  	v3 =	vand.u32 $0x7, v3;
	v4 =	vand.u32 $0xFFFFFFF0, v56  }
0x30f: {  	v3 =	vor.u32 v3, v4  }
0x310: {  	v4 =	vperm.xlane v3, v0;
	_ =	sdelay $0x1  }
0x311: {  	v3 =	vperm.xlane v3, v2;
	v4 =	vadd.s32 v1, v4;
	_ =	sdelay $0x1  }
0x312: {  	v3 =	vadd.s32 v1, v3;
	_ =	sdelay $0x1  }
0x313: {  	s19 =	simm.s32 $0x14800  }
0x314: {  	[tilespmem:s19], [sflag:$0x3] =	stream.indirect_vreg.gather [hbm4b:s1+s3], $0x80, v4, vm0, $0xb8;
	[tilespmem:$0x1A800] =	vst v63  }
0x315: {  	s20 =	simm.s32 $0x15000  }
0x316: {  	[tilespmem:s20], [sflag:$0x3] =	stream.indirect_vreg.gather [hbm4b:s1+s3], $0x80, v3, vm0, $0xb8;
	[tilespmem:$0x1A800] =	vst v63  }
0x317: {  	v3 =	vld [tilespmem:$0x6670];
	_ =	sdelay $0x4  }
0x318: {  	v57 =	vshll.u32 v3, $0x1  }
0x319: {  	v3 =	vand.u32 $0x7, v3;
	v4 =	vand.u32 $0xFFFFFFF0, v57  }
0x31a: {  	v3 =	vor.u32 v3, v4  }
0x31b: {  	v4 =	vperm.xlane v3, v0;
	_ =	sdelay $0x1  }
0x31c: {  	v3 =	vperm.xlane v3, v2;
	v4 =	vadd.s32 v1, v4;
	_ =	sdelay $0x1  }
0x31d: {  	v3 =	vadd.s32 v1, v3;
	_ =	sdelay $0x1  }
0x31e: {  	s21 =	simm.s32 $0x15800  }
0x31f: {  	[tilespmem:s21], [sflag:$0x3] =	stream.indirect_vreg.gather [hbm4b:s1+s3], $0x80, v4, vm0, $0xb8;
	[tilespmem:$0x1A800] =	vst v63  }
0x320: {  	s4 =	simm.s32 $0x16000  }
0x321: {  	[tilespmem:s4], [sflag:$0x3] =	stream.indirect_vreg.gather [hbm4b:s1+s3], $0x80, v3, vm0, $0xb8;
	[tilespmem:$0x1A800] =	vst v63  }
0x322: {  	_ =	swait.ge [sflag:s13], $0x8000  }
0x323: {  	[sflag:s13] =	ssyncset.done $0x0  }
0x324: {  	s7 =	rddreg [dreg:$0xd];
	[sflag:s13] =	ssyncadd.s32 $0xFFFF8000  }
0x325: {  	[hbm4b:s7+s3] =	stream.linear.scatter [tilespmem:s23], [sflag:$0x4], $0x8000, $0x38;
	[tilespmem:$0x1A800] =	vst v63  }
0x326: {  	_ =	swait.ge [sflag:s15], $0x8000  }
0x327: {  	[sflag:s15] =	ssyncset.done $0x0  }
0x328: {  	s8 =	rddreg [dreg:$0xe];
	[sflag:s15] =	ssyncadd.s32 $0xFFFF8000  }
0x329: {  	[hbm4b:s8+s3] =	stream.linear.scatter [tilespmem:s0], [sflag:$0x5], $0x8000, $0x38;
	[tilespmem:$0x1A800] =	vst v63  }
0x32a: {  	_ =	swait.ge [sflag:s14], $0x8000  }
0x32b: {  	[sflag:s14] =	ssyncset.done $0x0  }
0x32c: {  	[sflag:s14] =	ssyncadd.s32 $0xFFFF8000  }
0x32d: {  	_ =	swait.ge [sflag:s16], $0x8000  }
0x32e: {  	[sflag:s16] =	ssyncset.done $0x0  }
0x32f: {  	[sflag:s16] =	ssyncadd.s32 $0xFFFF8000  }
0x330: {  	v3 =	vld [tilespmem:$0x6680];
	_ =	sdelay $0x4  }
0x331: {  	v58 =	vshll.u32 v3, $0x1  }
0x332: {  	v3 =	vand.u32 $0x7, v3;
	v4 =	vand.u32 $0xFFFFFFF0, v58  }
0x333: {  	v3 =	vor.u32 v3, v4  }
0x334: {  	v4 =	vperm.xlane v3, v0;
	_ =	sdelay $0x1  }
0x335: {  	v3 =	vperm.xlane v3, v2;
	v4 =	vadd.s32 v1, v4;
	_ =	sdelay $0x1  }
0x336: {  	v3 =	vadd.s32 v1, v3;
	_ =	sdelay $0x1  }
0x337: {  	s0 =	simm.s32 $0x16800  }
0x338: {  	[tilespmem:s0], [sflag:$0x2] =	stream.indirect_vreg.gather [hbm4b:s1+s3], $0x80, v4, vm0, $0xb8;
	[tilespmem:$0x1A800] =	vst v63  }
0x339: {  	s2 =	simm.s32 $0x17000  }
0x33a: {  	[tilespmem:s2], [sflag:$0x2] =	stream.indirect_vreg.gather [hbm4b:s1+s3], $0x80, v3, vm0, $0xb8;
	[tilespmem:$0x1A800] =	vst v63  }
0x33b: {  	v3 =	vld [tilespmem:$0x6690];
	_ =	sdelay $0x4  }
0x33c: {  	v59 =	vshll.u32 v3, $0x1  }
0x33d: {  	v3 =	vand.u32 $0x7, v3;
	v4 =	vand.u32 $0xFFFFFFF0, v59  }
0x33e: {  	v3 =	vor.u32 v3, v4  }
0x33f: {  	v4 =	vperm.xlane v3, v0;
	_ =	sdelay $0x1  }
0x340: {  	v3 =	vperm.xlane v3, v2;
	v4 =	vadd.s32 v1, v4;
	_ =	sdelay $0x1  }
0x341: {  	v3 =	vadd.s32 v1, v3;
	_ =	sdelay $0x1  }
0x342: {  	s4 =	simm.s32 $0x17800  }
0x343: {  	[tilespmem:s4], [sflag:$0x2] =	stream.indirect_vreg.gather [hbm4b:s1+s3], $0x80, v4, vm0, $0xb8;
	[tilespmem:$0x1A800] =	vst v63  }
0x344: {  	s7 =	simm.s32 $0x18000  }
0x345: {  	[tilespmem:s7], [sflag:$0x2] =	stream.indirect_vreg.gather [hbm4b:s1+s3], $0x80, v3, vm0, $0xb8;
	[tilespmem:$0x1A800] =	vst v63  }
0x346: {  	v3 =	vld [tilespmem:$0x6700];
	_ =	sdelay $0x4  }
0x347: {  	v60 =	vshll.u32 v3, $0x1  }
0x348: {  	v3 =	vand.u32 $0x7, v3;
	v4 =	vand.u32 $0xFFFFFFF0, v60  }
0x349: {  	v3 =	vor.u32 v3, v4  }
0x34a: {  	v4 =	vperm.xlane v3, v0;
	_ =	sdelay $0x1  }
0x34b: {  	v3 =	vperm.xlane v3, v2;
	v4 =	vadd.s32 v1, v4;
	_ =	sdelay $0x1  }
0x34c: {  	v3 =	vadd.s32 v1, v3;
	_ =	sdelay $0x1  }
0x34d: {  	s8 =	simm.s32 $0x18800  }
0x34e: {  	[tilespmem:s8], [sflag:$0x3] =	stream.indirect_vreg.gather [hbm4b:s1+s3], $0x80, v4, vm0, $0xb8;
	[tilespmem:$0x1A800] =	vst v63  }
0x34f: {  	s19 =	rddreg [dreg:$0x18]  }
0x350: {  	[tilespmem:s19], [sflag:$0x3] =	stream.indirect_vreg.gather [hbm4b:s1+s3], $0x80, v3, vm0, $0xb8;
	[tilespmem:$0x1A800] =	vst v63  }
0x351: {  	v3 =	vld [tilespmem:$0x6710];
	_ =	sdelay $0x4  }
0x352: {  	v61 =	vshll.u32 v3, $0x1  }
0x353: {  	v3 =	vand.u32 $0x7, v3;
	v4 =	vand.u32 $0xFFFFFFF0, v61  }
0x354: {  	v3 =	vor.u32 v3, v4  }
0x355: {  	v4 =	vperm.xlane v3, v0;
	_ =	sdelay $0x1  }
0x356: {  	v3 =	vperm.xlane v3, v2;
	v4 =	vadd.s32 v1, v4;
	_ =	sdelay $0x1  }
0x357: {  	v3 =	vadd.s32 v1, v3;
	_ =	sdelay $0x1  }
0x358: {  	s20 =	rddreg [dreg:$0x19]  }
0x359: {  	[tilespmem:s20], [sflag:$0x3] =	stream.indirect_vreg.gather [hbm4b:s1+s3], $0x80, v4, vm0, $0xb8;
	[tilespmem:$0x1A800] =	vst v63  }
0x35a: {  	s21 =	rddreg [dreg:$0x1a]  }
0x35b: {  	[tilespmem:s21], [sflag:$0x3] =	stream.indirect_vreg.gather [hbm4b:s1+s3], $0x80, v3, vm0, $0xb8;
	[tilespmem:$0x1A800] =	vst v63  }
0x35c: {  	_ =	swait.ge [sflag:s13], $0x2000  }
0x35d: {  	[sflag:s13] =	ssyncset.done $0x0  }
0x35e: {  	s19 =	rddreg [dreg:$0xf];
	[sflag:s13] =	ssyncadd.s32 $0xFFFFE000  }
0x35f: {  	[hbm4b:s19+s3] =	stream.linear.scatter [tilespmem:s0], [sflag:$0x4], $0x2000, $0x38;
	[tilespmem:$0x1A800] =	vst v63  }
0x360: {  	_ =	swait.ge [sflag:s14], $0x2000  }
0x361: {  	[sflag:s14] =	ssyncset.done $0x0  }
0x362: {  	[sflag:s14] =	ssyncadd.s32 $0xFFFFE000  }
0x363: {  	v3 =	vld [tilespmem:$0x6780];
	_ =	sdelay $0x4  }
0x364: {  	v62 =	vshll.u32 v3, $0x1  }
0x365: {  	v3 =	vand.u32 $0x7, v3;
	v4 =	vand.u32 $0xFFFFFFF0, v62  }
0x366: {  	v3 =	vor.u32 v3, v4  }
0x367: {  	v4 =	vperm.xlane v3, v0;
	_ =	sdelay $0x1  }
0x368: {  	v3 =	vperm.xlane v3, v2;
	v4 =	vadd.s32 v1, v4;
	_ =	sdelay $0x1  }
0x369: {  	v3 =	vadd.s32 v1, v3;
	_ =	sdelay $0x2  }
0x36a: {  	[tilespmem:s0], [sflag:$0x2] =	stream.indirect_vreg.gather [hbm4b:s1+s3], $0x80, v4, vm0, $0xb8;
	[tilespmem:$0x1A800] =	vst v63  }
0x36b: {  	_ = 	snop  }
0x36c: {  	[tilespmem:s2], [sflag:$0x2] =	stream.indirect_vreg.gather [hbm4b:s1+s3], $0x80, v3, vm0, $0xb8;
	[tilespmem:$0x1A800] =	vst v63  }
0x36d: {  	v3 =	vld [tilespmem:$0x6790];
	_ =	sdelay $0x4  }
0x36e: {  	v63 =	vshll.u32 v3, $0x1  }
0x36f: {  	v3 =	vand.u32 $0x7, v3;
	v4 =	vand.u32 $0xFFFFFFF0, v63  }
0x370: {  	v3 =	vor.u32 v3, v4  }
0x371: {  	v4 =	vperm.xlane v3, v0;
	_ =	sdelay $0x1  }
0x372: {  	v3 =	vperm.xlane v3, v2;
	v4 =	vadd.s32 v1, v4;
	_ =	sdelay $0x1  }
0x373: {  	v3 =	vadd.s32 v1, v3;
	_ =	sdelay $0x2  }
0x374: {  	[tilespmem:s4], [sflag:$0x2] =	stream.indirect_vreg.gather [hbm4b:s1+s3], $0x80, v4, vm0, $0xb8;
	[tilespmem:$0x1A800] =	vst v63  }
0x375: {  	_ = 	snop  }
0x376: {  	[tilespmem:s7], [sflag:$0x2] =	stream.indirect_vreg.gather [hbm4b:s1+s3], $0x80, v3, vm0, $0xb8;
	[tilespmem:$0x1A800] =	vst v63  }
0x377: {  	_ =	swait.ge [sflag:s15], $0x2000  }
0x378: {  	[sflag:s15] =	ssyncset.done $0x0  }
0x379: {  	s20 =	rddreg [dreg:$0x10];
	[sflag:s15] =	ssyncadd.s32 $0xFFFFE000  }
0x37a: {  	[hbm4b:s20+s3] =	stream.linear.scatter [tilespmem:s8], [sflag:$0x5], $0x2000, $0x38;
	[tilespmem:$0x1A800] =	vst v63  }
0x37b: {  	_ =	swait.ge [sflag:s13], $0x2000  }
0x37c: {  	[sflag:s13] =	ssyncset.done $0x0  }
0x37d: {  	s21 =	rddreg [dreg:$0x11];
	[sflag:s13] =	ssyncadd.s32 $0xFFFFE000  }
0x37e: {  	[hbm4b:s21+s3] =	stream.linear.scatter [tilespmem:s0], [sflag:$0x4], $0x2000, $0x38;
	[tilespmem:$0x1A800] =	vst v63  }
0x37f: {  	p0 =	sne.s32 s5, $0x1;
	_ =	swait.ge [sflag:s16], $0x2000  }
.Ltmp0:
0x380: {  	[sflag:s16] =	ssyncset.done $0x0;
	(pc) =	sbr.rel @p0 .LBB2_1-.Ltmp0, $4  }
0x381: {  	[sflag:s16] =	ssyncadd.s32 $0xFFFFE000  }
0x382: {  	_ =	swait.ge [sflag:s14], $0x2000  }
0x383: {  	[sflag:s14] =	ssyncset.done $0x0  }
0x384: {  	s5 =	sadd.s32 $0xFFFFFFFF, s5;
	[sflag:s14] =	ssyncadd.s32 $0xFFFFE000  }
0x385: {  	_ =	sfence.sel $0x180000  }
0x386: {  	[bflag:$0x0] =	sbarrier.arrive $0xFFFF  }
0x387: {  	_ =	strace $0x90000047  }
0x388: {  	s0 =	stileid.u32;
	[bflag:$0x2] =	sbarrier.arrive $0xFFFF  }
0x389: {  	p0 =	sne.s32 s0, $0x0;
	s0 =	rddreg [dreg:$0x2]  }
0x38a: {  	s0 =	sadd.s32 @!p0 $0x100000, s0  }
0x38b: {  	[sflag:s0] =	ssyncadd.tile.s32 @!p0 $0x1;
	_ =	shalt  }
.Lfunc_end2:
_tile_overlayer_lowered:
.L_overlay_start_2:
0x38c: {  	(tag) =	ssettag $0x2  }
0x38d: {  	s0 =	rddreg [dreg:$0x0];
	s2 =	stileid.u32  }
0x38e: {  	s1 =	rddreg [dreg:$0x1];
	p0 =	sne.s32 s2, $0x0  }
0x38f: {  	s3 =	rddreg [dreg:$0x2];
	[bflag:$0x3] =	sbarrier.arrive $0xFFFF;
	s2 =	simm.s32 @!p0 $0x1C06  }
0x390: {  	[timem:s3], [sflag:s2] =	dma.local @!p0 [hbm:s0], s1  }
0x391: {  	s0 =	simm.s32 @!p0 $0x6  }
0x392: {  	_ =	swait.ge @!p0 [sflag:s0], s1  }
0x393: {  	s1 =	ssub.s32 @!p0 $0x0, s1;
	[sflag:s0] =	ssyncset.done @!p0 $0x0  }
0x394: {  	[sflag:s0] =	ssyncadd.s32 @!p0 s1  }
0x395: {  	[bflag:$0x3] =	sbarrier.arrive $0xFFFF  }
0x396: {  	_ =	shalt  }

</sc_bundles>
